<compile_context>
chip_gen: v7x
topology: tpu7x:2x2x1
jax: 0.10.2.dev20260603
libtpu: 0.0.44.dev20260713+nightly
codegen_flags: <defaults>
</compile_context>

<pallas_src>
import functools

import jax
import jax.numpy as jnp
from jax import lax
from jax.experimental import pallas as pl
from jax.experimental.pallas import tpu as pltpu
from jax.experimental.pallas import tpu_sc as plsc

Z = 2
R = 8192
COLS = 2048
RS = 512

NC = 2
NS = 16
L = 16
NW = NC * NS
ROWS_W = Z * RS // NW
BR = 8
NBUF = 2
STEPS = ROWS_W // BR

TC_BLK = 512
TC_STEPS = (R - RS) // TC_BLK

_mesh = plsc.VectorSubcoreMesh(core_axis_name="c", subcore_axis_name="s")


@functools.partial(
    pl.kernel,
    mesh=_mesh,
    out_type=jax.ShapeDtypeStruct((2, NW, L), jnp.float32),
    scratch_types=[
        pltpu.VMEM((BR, COLS), jnp.float32),
        pltpu.VMEM((BR, COLS), jnp.float32),
        pltpu.VMEM((BR, COLS), jnp.float32),
        pltpu.VMEM((BR, COLS), jnp.float32),
        pltpu.VMEM((2, L), jnp.float32),
        pltpu.SemaphoreType.DMA,
        pltpu.SemaphoreType.DMA,
    ],
    compiler_params=pltpu.CompilerParams(use_tc_tiling_on_sc=True),
)
def _sc_partials(o_hbm, t_hbm, out_hbm, ob0, ob1, tb0, tb1, acc, sem0, sem1):
    wid = lax.axis_index("s") * NC + lax.axis_index("c")
    z = wid // (NW // Z)
    row0 = (wid % (NW // Z)) * ROWS_W
    obufs = (ob0, ob1)
    tbufs = (tb0, tb1)
    sems = (sem0, sem1)

    def start(step, b):
        r = row0 + step * BR
        pltpu.async_copy(o_hbm.at[z, pl.ds(r, BR), :], obufs[b], sems[b])
        pltpu.async_copy(t_hbm.at[z, pl.ds(r, BR), :], tbufs[b], sems[b])

    def wait(b):
        pltpu.make_async_copy(o_hbm.at[0, pl.ds(0, BR), :], obufs[b],
                              sems[b]).wait()
        pltpu.make_async_copy(t_hbm.at[0, pl.ds(0, BR), :], tbufs[b],
                              sems[b]).wait()

    acc[...] = jnp.zeros((2, L), jnp.float32)

    for b in range(NBUF):
        start(b, b)

    zf = jnp.zeros((L,), jnp.float32)

    @pl.loop(0, STEPS, step=NBUF)
    def _outer(g):
        for b in range(NBUF):
            step = g + b
            wait(b)
            ob, tb = obufs[b], tbufs[b]

            @plsc.parallel_loop(0, COLS, step=L,
                                carry=tuple((zf, zf) for _ in range(BR)))
            def accs(j, carry, ob=ob, tb=tb):
                out = []
                for u, (asq, act) in enumerate(carry):
                    o = ob[u, pl.ds(j, L)]
                    t = tb[u, pl.ds(j, L)]
                    d = o - t
                    m = jnp.minimum(jnp.abs(o), jnp.abs(t)) > 0.0
                    wf = jnp.where(m, 1.0, 0.0)
                    dm = d * wf
                    asq = asq + dm * dm
                    act = act + wf
                    out.append((asq, act))
                return tuple(out)

            asq = functools.reduce(lax.add, [p[0] for p in accs])
            act = functools.reduce(lax.add, [p[1] for p in accs])
            acc[0, :] = acc[0, :] + asq
            acc[1, :] = acc[1, :] + act

            @pl.when(step + NBUF < STEPS)
            def _prefetch(step=step, b=b):
                start(step + NBUF, b)

    pltpu.sync_copy(acc.at[0], out_hbm.at[0, wid])
    pltpu.sync_copy(acc.at[1], out_hbm.at[1, wid])


def _tc_body(o_ref, t_ref, out_ref):
    zi = pl.program_id(0)
    ri = pl.program_id(1)
    o = o_ref[0]
    t = t_ref[0]
    d = o - t
    w = jnp.where((o != 0.0) & (t != 0.0), 1.0, 0.0)
    wd = w * d
    psq = jnp.sum(wd * d, axis=0, keepdims=True)
    pct = jnp.sum(w, axis=0, keepdims=True)

    @pl.when((zi == 0) & (ri == 0))
    def _init():
        out_ref[...] = jnp.zeros_like(out_ref)

    out_ref[...] += jnp.concatenate([psq, pct], axis=0)


_tc_partials = pl.pallas_call(
    _tc_body,
    grid=(Z, TC_STEPS),
    in_specs=[
        pl.BlockSpec((1, TC_BLK, COLS), lambda zi, ri: (zi, ri + RS // TC_BLK, 0)),
        pl.BlockSpec((1, TC_BLK, COLS), lambda zi, ri: (zi, ri + RS // TC_BLK, 0)),
    ],
    out_specs=pl.BlockSpec((2, COLS), lambda zi, ri: (0, 0)),
    out_shape=jax.ShapeDtypeStruct((2, COLS), jnp.float32),
    compiler_params=pltpu.CompilerParams(
        dimension_semantics=("arbitrary", "arbitrary")),
)


def kernel(output, target):
    p_sc = _sc_partials(output, target)
    p_tc = _tc_partials(output, target)
    s_sc = jnp.sum(p_sc, axis=(1, 2))
    s_tc = jnp.sum(p_tc, axis=1)
    num_den = s_sc + s_tc
    return num_den[0] / num_den[1]

# --- scband reference (transcript-rebuilt; emitter-appended) ---
"""Pipeline reference for scband-masked-loss-18305150616235 (READ-ONLY COPY).

The authoritative reference and input builder live on the scoring server;
editing this copy changes nothing except your own understanding.
"""

import jax, jax.numpy as jnp
import numpy as np

def setup_inputs(seed: int = 0) -> dict:
    key = jax.random.key(seed)
    k1, k2 = jax.random.split(key)
    output = jax.random.normal(k1, (2, 8192, 2048), dtype=jnp.float32)
    target = jax.random.normal(k2, (2, 8192, 2048), dtype=jnp.float32)
    return {"output": output, "target": target}

def reference(output, target):
    # output = output[output != 0.0]; target = target[target != 0.0]
    # (eager jax supports boolean-mask indexing; randn inputs have no exact zeros,
    #  so the two compacted vectors have equal length, as the original code assumes)
    mask_o = output != 0.0
    mask_t = target != 0.0
    w = (mask_o & mask_t).astype(output.dtype)
    # criterion = nn.MSELoss() with default 'mean' reduction
    loss = jnp.sum(w * (output - target) ** 2) / jnp.sum(w)
    return loss

if __name__ == "__main__":
    import jax
    _d = setup_inputs()
    print(jax.jit(kernel)(*tuple(_d.values())))

</pallas_src>

<mosaic_0001>
#map = affine_map<(d0, d1) -> (0, 0, 0)>
module attributes {stable_mosaic.version = 14 : i64} {
  func.func @_sc_partials(%arg0: i32, %arg1: i32, %arg2: memref<2x8192x2048xf32, #tpu.memory_space<hbm>>, %arg3: memref<2x8192x2048xf32, #tpu.memory_space<hbm>>, %arg4: memref<2x32x16xf32, #tpu.memory_space<hbm>>, %arg5: memref<8x2048xf32, #tpu.memory_space<vmem>>, %arg6: memref<8x2048xf32, #tpu.memory_space<vmem>>, %arg7: memref<8x2048xf32, #tpu.memory_space<vmem>>, %arg8: memref<8x2048xf32, #tpu.memory_space<vmem>>, %arg9: memref<2x16xf32, #tpu.memory_space<vmem>>, %arg10: memref<!tpu.dma_semaphore, #tpu.memory_space<semaphore_mem>>, %arg11: memref<!tpu.dma_semaphore, #tpu.memory_space<semaphore_mem>>) attributes {dimension_semantics = [#tpu.dimension_semantics<core_parallel>, #tpu.dimension_semantics<subcore_parallel>], iteration_bounds = array<i64: 2, 16>, scalar_prefetch = 0 : i64, scratch_operands = 7 : i64, tpu.core_type = #tpu.core_type<sc_vector_subcore>, window_params = [{transform_indices = #map}, {transform_indices = #map}, {transform_indices = #map}]} {
    %mul3A = arith.constant 2 : i32
    %mul3A_0 = arith.muli %arg1, %mul3A : i32
    %add3A = arith.addi %mul3A_0, %arg0 : i32
    %jit3A = arith.constant 16 : i32
    %div3A = arith.divsi %add3A, %jit3A : i32
    %sign3A = arith.constant 0 : i32
    %sign3A_1 = arith.cmpi sgt, %add3A, %sign3A : i32
    %sign3A_2 = arith.extui %sign3A_1 : i1 to i32
    %sign3A_3 = arith.constant 0 : i32
    %sign3A_4 = arith.cmpi slt, %add3A, %sign3A_3 : i32
    %sign3A_5 = arith.extui %sign3A_4 : i1 to i32
    %sign3A_6 = arith.subi %sign3A_2, %sign3A_5 : i32
    %sign3A_7 = arith.constant 0 : i32
    %sign3A_8 = arith.cmpi sgt, %jit3A, %sign3A_7 : i32
    %sign3A_9 = arith.extui %sign3A_8 : i1 to i32
    %sign3A_10 = arith.constant 0 : i32
    %sign3A_11 = arith.cmpi slt, %jit3A, %sign3A_10 : i32
    %sign3A_12 = arith.extui %sign3A_11 : i1 to i32
    %sign3A_13 = arith.subi %sign3A_9, %sign3A_12 : i32
    %ne3A = arith.cmpi ne, %sign3A_6, %sign3A_13 : i32
    %rem3A = arith.remsi %add3A, %jit3A : i32
    %ne3A_14 = arith.constant 0 : i32
    %ne3A_15 = arith.cmpi ne, %rem3A, %ne3A_14 : i32
    %and3A = arith.andi %ne3A, %ne3A_15 : i1
    %sub3A = arith.constant 1 : i32
    %sub3A_16 = arith.subi %div3A, %sub3A : i32
    %select_n3A = arith.select %and3A, %sub3A_16, %div3A : i32
    %jit3A_17 = arith.constant 16 : i32
    %eq3A = arith.constant 0 : i32
    %eq3A_18 = arith.cmpi eq, %jit3A_17, %eq3A : i32
    %jit3A_19 = arith.constant 1 : i32
    %select_n3A_20 = arith.select %eq3A_18, %jit3A_19, %jit3A_17 : i32
    %rem3A_21 = arith.remsi %add3A, %select_n3A_20 : i32
    %ne3A_22 = arith.constant 0 : i32
    %ne3A_23 = arith.cmpi ne, %rem3A_21, %ne3A_22 : i32
    %lt3A = arith.constant 0 : i32
    %lt3A_24 = arith.cmpi slt, %rem3A_21, %lt3A : i32
    %lt3A_25 = arith.constant 0 : i32
    %lt3A_26 = arith.cmpi slt, %select_n3A_20, %lt3A_25 : i32
    %ne3A_27 = arith.xori %lt3A_24, %lt3A_26 : i1
    %and3A_28 = arith.andi %ne3A_27, %ne3A_23 : i1
    %add3A_29 = arith.addi %rem3A_21, %select_n3A_20 : i32
    %select_n3A_30 = arith.select %and3A_28, %add3A_29, %rem3A_21 : i32
    %mul3A_31 = arith.constant 32 : i32
    %mul3A_32 = arith.muli %select_n3A_30, %mul3A_31 : i32
    %broadcast_in_dim3A = arith.constant 0.000000e+00 : f32
    %broadcast_in_dim3A_33 = vector.broadcast %broadcast_in_dim3A : f32 to vector<2x16xf32>
    %swap3A = arith.constant 0 : index
    %swap3A_34 = arith.constant 0 : index
    %swap3A_35 = tpu.vector_load %arg9[%swap3A, %swap3A_34] {strides = array<i32>} : memref<2x16xf32, #tpu.memory_space<vmem>>, vector<2x16xf32>,
    %swap3A_36 = vector.shape_cast %swap3A_35 : vector<2x16xf32> to vector<2x16xf32>
    %swap3A_37 = vector.shape_cast %broadcast_in_dim3A_33 : vector<2x16xf32> to vector<2x16xf32>
    tpu.vector_store %arg9[%swap3A, %swap3A_34], %swap3A_37 {strides = array<i32>} : memref<2x16xf32, #tpu.memory_space<vmem>>, vector<2x16xf32>,
    %add3A_38 = arith.constant 0 : i32
    %add3A_39 = arith.addi %mul3A_32, %add3A_38 : i32
    %dma_start3A = arith.constant 0 : i32
    %dma_start3A_40 = tpu.memref_slice %arg2[%select_n3A, %add3A_39, %dma_start3A] : memref<2x8192x2048xf32, #tpu.memory_space<hbm>> -> memref<1x8x2048xf32, #tpu.memory_space<hbm>>
    %dma_start3A_41 = tpu.memref_squeeze %dma_start3A_40 : memref<1x8x2048xf32, #tpu.memory_space<hbm>> -> memref<8x2048xf32, #tpu.memory_space<hbm>>
    %dma_start3A_42 = arith.constant 0 : i32
    %dma_start3A_43 = tpu.memref_slice %arg2[%select_n3A, %add3A_39, %dma_start3A_42] : memref<2x8192x2048xf32, #tpu.memory_space<hbm>> -> memref<1x8x2048xf32, #tpu.memory_space<hbm>>
    %dma_start3A_44 = tpu.memref_squeeze %dma_start3A_43 : memref<1x8x2048xf32, #tpu.memory_space<hbm>> -> memref<8x2048xf32, #tpu.memory_space<hbm>>
    tpu.enqueue_dma source(%dma_start3A_44 : memref<8x2048xf32, #tpu.memory_space<hbm>>) target(%arg5 : memref<8x2048xf32, #tpu.memory_space<vmem>>) target_semaphore(%arg10 : memref<!tpu.dma_semaphore, #tpu.memory_space<semaphore_mem>>)
    %dma_start3A_45 = arith.constant 0 : i32
    %dma_start3A_46 = tpu.memref_slice %arg3[%select_n3A, %add3A_39, %dma_start3A_45] : memref<2x8192x2048xf32, #tpu.memory_space<hbm>> -> memref<1x8x2048xf32, #tpu.memory_space<hbm>>
    %dma_start3A_47 = tpu.memref_squeeze %dma_start3A_46 : memref<1x8x2048xf32, #tpu.memory_space<hbm>> -> memref<8x2048xf32, #tpu.memory_space<hbm>>
    %dma_start3A_48 = arith.constant 0 : i32
    %dma_start3A_49 = tpu.memref_slice %arg3[%select_n3A, %add3A_39, %dma_start3A_48] : memref<2x8192x2048xf32, #tpu.memory_space<hbm>> -> memref<1x8x2048xf32, #tpu.memory_space<hbm>>
    %dma_start3A_50 = tpu.memref_squeeze %dma_start3A_49 : memref<1x8x2048xf32, #tpu.memory_space<hbm>> -> memref<8x2048xf32, #tpu.memory_space<hbm>>
    tpu.enqueue_dma source(%dma_start3A_50 : memref<8x2048xf32, #tpu.memory_space<hbm>>) target(%arg7 : memref<8x2048xf32, #tpu.memory_space<vmem>>) target_semaphore(%arg10 : memref<!tpu.dma_semaphore, #tpu.memory_space<semaphore_mem>>)
    %add3A_51 = arith.constant 8 : i32
    %add3A_52 = arith.addi %mul3A_32, %add3A_51 : i32
    %dma_start3A_53 = arith.constant 0 : i32
    %dma_start3A_54 = tpu.memref_slice %arg2[%select_n3A, %add3A_52, %dma_start3A_53] : memref<2x8192x2048xf32, #tpu.memory_space<hbm>> -> memref<1x8x2048xf32, #tpu.memory_space<hbm>>
    %dma_start3A_55 = tpu.memref_squeeze %dma_start3A_54 : memref<1x8x2048xf32, #tpu.memory_space<hbm>> -> memref<8x2048xf32, #tpu.memory_space<hbm>>
    %dma_start3A_56 = arith.constant 0 : i32
    %dma_start3A_57 = tpu.memref_slice %arg2[%select_n3A, %add3A_52, %dma_start3A_56] : memref<2x8192x2048xf32, #tpu.memory_space<hbm>> -> memref<1x8x2048xf32, #tpu.memory_space<hbm>>
    %dma_start3A_58 = tpu.memref_squeeze %dma_start3A_57 : memref<1x8x2048xf32, #tpu.memory_space<hbm>> -> memref<8x2048xf32, #tpu.memory_space<hbm>>
    tpu.enqueue_dma source(%dma_start3A_58 : memref<8x2048xf32, #tpu.memory_space<hbm>>) target(%arg6 : memref<8x2048xf32, #tpu.memory_space<vmem>>) target_semaphore(%arg11 : memref<!tpu.dma_semaphore, #tpu.memory_space<semaphore_mem>>)
    %dma_start3A_59 = arith.constant 0 : i32
    %dma_start3A_60 = tpu.memref_slice %arg3[%select_n3A, %add3A_52, %dma_start3A_59] : memref<2x8192x2048xf32, #tpu.memory_space<hbm>> -> memref<1x8x2048xf32, #tpu.memory_space<hbm>>
    %dma_start3A_61 = tpu.memref_squeeze %dma_start3A_60 : memref<1x8x2048xf32, #tpu.memory_space<hbm>> -> memref<8x2048xf32, #tpu.memory_space<hbm>>
    %dma_start3A_62 = arith.constant 0 : i32
    %dma_start3A_63 = tpu.memref_slice %arg3[%select_n3A, %add3A_52, %dma_start3A_62] : memref<2x8192x2048xf32, #tpu.memory_space<hbm>> -> memref<1x8x2048xf32, #tpu.memory_space<hbm>>
    %dma_start3A_64 = tpu.memref_squeeze %dma_start3A_63 : memref<1x8x2048xf32, #tpu.memory_space<hbm>> -> memref<8x2048xf32, #tpu.memory_space<hbm>>
    tpu.enqueue_dma source(%dma_start3A_64 : memref<8x2048xf32, #tpu.memory_space<hbm>>) target(%arg8 : memref<8x2048xf32, #tpu.memory_space<vmem>>) target_semaphore(%arg11 : memref<!tpu.dma_semaphore, #tpu.memory_space<semaphore_mem>>)
    %broadcast_in_dim3A_65 = arith.constant 0.000000e+00 : f32
    %broadcast_in_dim3A_66 = vector.broadcast %broadcast_in_dim3A_65 : f32 to vector<16xf32>
    %scan3A = arith.constant 0 : i32
    %scan3A_67 = arith.constant 2 : i32
    %scan3A_68 = arith.addi %scan3A, %scan3A_67 : i32
    %scan3A_69 = arith.constant 1 : i32
    scf.for %scan3A_74 = %scan3A to %scan3A_68 step %scan3A_69  : i32 {
      %mul3A_75 = arith.constant 2 : i32
      %mul3A_76 = arith.muli %scan3A_74, %mul3A_75 : i32
      %add3A_77 = arith.constant 0 : i32
      %add3A_78 = arith.addi %add3A_77, %mul3A_76 : i32
      %add3A_79 = arith.constant 0 : i32
      %add3A_80 = arith.addi %add3A_78, %add3A_79 : i32
      %dma_wait3A = arith.constant 0 : i32
      %dma_wait3A_81 = arith.constant 0 : i32
      %dma_wait3A_82 = arith.constant 0 : i32
      %dma_wait3A_83 = tpu.memref_slice %arg2[%dma_wait3A, %dma_wait3A_81, %dma_wait3A_82] : memref<2x8192x2048xf32, #tpu.memory_space<hbm>> -> memref<1x8x2048xf32, #tpu.memory_space<hbm>>
      %dma_wait3A_84 = tpu.memref_squeeze %dma_wait3A_83 : memref<1x8x2048xf32, #tpu.memory_space<hbm>> -> memref<8x2048xf32, #tpu.memory_space<hbm>>
      %dma_wait3A_85 = arith.constant 0 : i32
      %dma_wait3A_86 = arith.constant 0 : i32
      %dma_wait3A_87 = tpu.memref_slice %arg2[%dma_wait3A, %dma_wait3A_85, %dma_wait3A_86] : memref<2x8192x2048xf32, #tpu.memory_space<hbm>> -> memref<1x8x2048xf32, #tpu.memory_space<hbm>>
      %dma_wait3A_88 = tpu.memref_squeeze %dma_wait3A_87 : memref<1x8x2048xf32, #tpu.memory_space<hbm>> -> memref<8x2048xf32, #tpu.memory_space<hbm>>
      tpu.wait_dma2 semaphore(%arg10 : memref<!tpu.dma_semaphore, #tpu.memory_space<semaphore_mem>>) src(%dma_wait3A_88 : memref<8x2048xf32, #tpu.memory_space<hbm>>) dst(%arg5 : memref<8x2048xf32, #tpu.memory_space<vmem>>)
      %dma_wait3A_89 = arith.constant 0 : i32
      %dma_wait3A_90 = arith.constant 0 : i32
      %dma_wait3A_91 = arith.constant 0 : i32
      %dma_wait3A_92 = tpu.memref_slice %arg3[%dma_wait3A_89, %dma_wait3A_90, %dma_wait3A_91] : memref<2x8192x2048xf32, #tpu.memory_space<hbm>> -> memref<1x8x2048xf32, #tpu.memory_space<hbm>>
      %dma_wait3A_93 = tpu.memref_squeeze %dma_wait3A_92 : memref<1x8x2048xf32, #tpu.memory_space<hbm>> -> memref<8x2048xf32, #tpu.memory_space<hbm>>
      %dma_wait3A_94 = arith.constant 0 : i32
      %dma_wait3A_95 = arith.constant 0 : i32
      %dma_wait3A_96 = tpu.memref_slice %arg3[%dma_wait3A_89, %dma_wait3A_94, %dma_wait3A_95] : memref<2x8192x2048xf32, #tpu.memory_space<hbm>> -> memref<1x8x2048xf32, #tpu.memory_space<hbm>>
      %dma_wait3A_97 = tpu.memref_squeeze %dma_wait3A_96 : memref<1x8x2048xf32, #tpu.memory_space<hbm>> -> memref<8x2048xf32, #tpu.memory_space<hbm>>
      tpu.wait_dma2 semaphore(%arg10 : memref<!tpu.dma_semaphore, #tpu.memory_space<semaphore_mem>>) src(%dma_wait3A_97 : memref<8x2048xf32, #tpu.memory_space<hbm>>) dst(%arg7 : memref<8x2048xf32, #tpu.memory_space<vmem>>)
      %parallel_loop3A = arith.constant 0 : i32
      %parallel_loop3A_98 = arith.constant 2048 : i32
      %parallel_loop3A_99 = arith.constant 16 : i32
      %parallel_loop3A_100:16 = scf.for %parallel_loop3A_212 = %parallel_loop3A to %parallel_loop3A_98 step %parallel_loop3A_99 iter_args(%parallel_loop3A_213 = %broadcast_in_dim3A_66, %parallel_loop3A_214 = %broadcast_in_dim3A_66, %parallel_loop3A_215 = %broadcast_in_dim3A_66, %parallel_loop3A_216 = %broadcast_in_dim3A_66, %parallel_loop3A_217 = %broadcast_in_dim3A_66, %parallel_loop3A_218 = %broadcast_in_dim3A_66, %parallel_loop3A_219 = %broadcast_in_dim3A_66, %parallel_loop3A_220 = %broadcast_in_dim3A_66, %parallel_loop3A_221 = %broadcast_in_dim3A_66, %parallel_loop3A_222 = %broadcast_in_dim3A_66, %parallel_loop3A_223 = %broadcast_in_dim3A_66, %parallel_loop3A_224 = %broadcast_in_dim3A_66, %parallel_loop3A_225 = %broadcast_in_dim3A_66, %parallel_loop3A_226 = %broadcast_in_dim3A_66, %parallel_loop3A_227 = %broadcast_in_dim3A_66, %parallel_loop3A_228 = %broadcast_in_dim3A_66) -> (vector<16xf32>, vector<16xf32>, vector<16xf32>, vector<16xf32>, vector<16xf32>, vector<16xf32>, vector<16xf32>, vector<16xf32>, vector<16xf32>, vector<16xf32>, vector<16xf32>, vector<16xf32>, vector<16xf32>, vector<16xf32>, vector<16xf32>, vector<16xf32>)  : i32 {
        %parallel_loop3A_229 = arith.constant 0 : i32
        %parallel_loop3A_230 = arith.index_cast %parallel_loop3A_229 : i32 to index
        %parallel_loop3A_231 = arith.index_cast %parallel_loop3A_212 : i32 to index
        %parallel_loop3A_232 = tpu.vector_load %arg5[%parallel_loop3A_230, %parallel_loop3A_231] {strides = array<i32>} : memref<8x2048xf32, #tpu.memory_space<vmem>>, vector<1x16xf32>,
        %parallel_loop3A_233 = vector.shape_cast %parallel_loop3A_232 : vector<1x16xf32> to vector<16xf32>
        %parallel_loop3A_234 = arith.constant 0 : i32
        %parallel_loop3A_235 = arith.index_cast %parallel_loop3A_234 : i32 to index
        %parallel_loop3A_236 = arith.index_cast %parallel_loop3A_212 : i32 to index
        %parallel_loop3A_237 = tpu.vector_load %arg7[%parallel_loop3A_235, %parallel_loop3A_236] {strides = array<i32>} : memref<8x2048xf32, #tpu.memory_space<vmem>>, vector<1x16xf32>,
        %parallel_loop3A_238 = vector.shape_cast %parallel_loop3A_237 : vector<1x16xf32> to vector<16xf32>
        %parallel_loop3A_239 = arith.subf %parallel_loop3A_233, %parallel_loop3A_238 : vector<16xf32>
        %parallel_loop3A_240 = math.absf %parallel_loop3A_233 : vector<16xf32>
        %parallel_loop3A_241 = math.absf %parallel_loop3A_238 : vector<16xf32>
        %parallel_loop3A_242 = arith.minimumf %parallel_loop3A_240, %parallel_loop3A_241 : vector<16xf32>
        %parallel_loop3A_243 = arith.constant 0.000000e+00 : f32
        %parallel_loop3A_244 = vector.broadcast %parallel_loop3A_243 : f32 to vector<16xf32>
        %parallel_loop3A_245 = arith.cmpf ogt, %parallel_loop3A_242, %parallel_loop3A_244 : vector<16xf32>
        %parallel_loop3A_246 = arith.constant 1.000000e+00 : f32
        %parallel_loop3A_247 = arith.constant 0.000000e+00 : f32
        %parallel_loop3A_248 = vector.broadcast %parallel_loop3A_246 : f32 to vector<16xf32>
        %parallel_loop3A_249 = vector.broadcast %parallel_loop3A_247 : f32 to vector<16xf32>
        %parallel_loop3A_250 = arith.select %parallel_loop3A_245, %parallel_loop3A_248, %parallel_loop3A_249 : vector<16xi1>, vector<16xf32>
        %parallel_loop3A_251 = arith.mulf %parallel_loop3A_239, %parallel_loop3A_250 : vector<16xf32>
        %parallel_loop3A_252 = arith.mulf %parallel_loop3A_251, %parallel_loop3A_251 : vector<16xf32>
        %parallel_loop3A_253 = arith.addf %parallel_loop3A_213, %parallel_loop3A_252 : vector<16xf32>
        %parallel_loop3A_254 = arith.addf %parallel_loop3A_214, %parallel_loop3A_250 : vector<16xf32>
        %parallel_loop3A_255 = arith.constant 1 : i32
        %parallel_loop3A_256 = arith.index_cast %parallel_loop3A_255 : i32 to index
        %parallel_loop3A_257 = arith.index_cast %parallel_loop3A_212 : i32 to index
        %parallel_loop3A_258 = tpu.vector_load %arg5[%parallel_loop3A_256, %parallel_loop3A_257] {strides = array<i32>} : memref<8x2048xf32, #tpu.memory_space<vmem>>, vector<1x16xf32>,
        %parallel_loop3A_259 = vector.shape_cast %parallel_loop3A_258 : vector<1x16xf32> to vector<16xf32>
        %parallel_loop3A_260 = arith.constant 1 : i32
        %parallel_loop3A_261 = arith.index_cast %parallel_loop3A_260 : i32 to index
        %parallel_loop3A_262 = arith.index_cast %parallel_loop3A_212 : i32 to index
        %parallel_loop3A_263 = tpu.vector_load %arg7[%parallel_loop3A_261, %parallel_loop3A_262] {strides = array<i32>} : memref<8x2048xf32, #tpu.memory_space<vmem>>, vector<1x16xf32>,
        %parallel_loop3A_264 = vector.shape_cast %parallel_loop3A_263 : vector<1x16xf32> to vector<16xf32>
        %parallel_loop3A_265 = arith.subf %parallel_loop3A_259, %parallel_loop3A_264 : vector<16xf32>
        %parallel_loop3A_266 = math.absf %parallel_loop3A_259 : vector<16xf32>
        %parallel_loop3A_267 = math.absf %parallel_loop3A_264 : vector<16xf32>
        %parallel_loop3A_268 = arith.minimumf %parallel_loop3A_266, %parallel_loop3A_267 : vector<16xf32>
        %parallel_loop3A_269 = arith.constant 0.000000e+00 : f32
        %parallel_loop3A_270 = vector.broadcast %parallel_loop3A_269 : f32 to vector<16xf32>
        %parallel_loop3A_271 = arith.cmpf ogt, %parallel_loop3A_268, %parallel_loop3A_270 : vector<16xf32>
        %parallel_loop3A_272 = arith.constant 1.000000e+00 : f32
        %parallel_loop3A_273 = arith.constant 0.000000e+00 : f32
        %parallel_loop3A_274 = vector.broadcast %parallel_loop3A_272 : f32 to vector<16xf32>
        %parallel_loop3A_275 = vector.broadcast %parallel_loop3A_273 : f32 to vector<16xf32>
        %parallel_loop3A_276 = arith.select %parallel_loop3A_271, %parallel_loop3A_274, %parallel_loop3A_275 : vector<16xi1>, vector<16xf32>
        %parallel_loop3A_277 = arith.mulf %parallel_loop3A_265, %parallel_loop3A_276 : vector<16xf32>
        %parallel_loop3A_278 = arith.mulf %parallel_loop3A_277, %parallel_loop3A_277 : vector<16xf32>
        %parallel_loop3A_279 = arith.addf %parallel_loop3A_215, %parallel_loop3A_278 : vector<16xf32>
        %parallel_loop3A_280 = arith.addf %parallel_loop3A_216, %parallel_loop3A_276 : vector<16xf32>
        %parallel_loop3A_281 = arith.constant 2 : i32
        %parallel_loop3A_282 = arith.index_cast %parallel_loop3A_281 : i32 to index
        %parallel_loop3A_283 = arith.index_cast %parallel_loop3A_212 : i32 to index
        %parallel_loop3A_284 = tpu.vector_load %arg5[%parallel_loop3A_282, %parallel_loop3A_283] {strides = array<i32>} : memref<8x2048xf32, #tpu.memory_space<vmem>>, vector<1x16xf32>,
        %parallel_loop3A_285 = vector.shape_cast %parallel_loop3A_284 : vector<1x16xf32> to vector<16xf32>
        %parallel_loop3A_286 = arith.constant 2 : i32
        %parallel_loop3A_287 = arith.index_cast %parallel_loop3A_286 : i32 to index
        %parallel_loop3A_288 = arith.index_cast %parallel_loop3A_212 : i32 to index
        %parallel_loop3A_289 = tpu.vector_load %arg7[%parallel_loop3A_287, %parallel_loop3A_288] {strides = array<i32>} : memref<8x2048xf32, #tpu.memory_space<vmem>>, vector<1x16xf32>,
        %parallel_loop3A_290 = vector.shape_cast %parallel_loop3A_289 : vector<1x16xf32> to vector<16xf32>
        %parallel_loop3A_291 = arith.subf %parallel_loop3A_285, %parallel_loop3A_290 : vector<16xf32>
        %parallel_loop3A_292 = math.absf %parallel_loop3A_285 : vector<16xf32>
        %parallel_loop3A_293 = math.absf %parallel_loop3A_290 : vector<16xf32>
        %parallel_loop3A_294 = arith.minimumf %parallel_loop3A_292, %parallel_loop3A_293 : vector<16xf32>
        %parallel_loop3A_295 = arith.constant 0.000000e+00 : f32
        %parallel_loop3A_296 = vector.broadcast %parallel_loop3A_295 : f32 to vector<16xf32>
        %parallel_loop3A_297 = arith.cmpf ogt, %parallel_loop3A_294, %parallel_loop3A_296 : vector<16xf32>
        %parallel_loop3A_298 = arith.constant 1.000000e+00 : f32
        %parallel_loop3A_299 = arith.constant 0.000000e+00 : f32
        %parallel_loop3A_300 = vector.broadcast %parallel_loop3A_298 : f32 to vector<16xf32>
        %parallel_loop3A_301 = vector.broadcast %parallel_loop3A_299 : f32 to vector<16xf32>
        %parallel_loop3A_302 = arith.select %parallel_loop3A_297, %parallel_loop3A_300, %parallel_loop3A_301 : vector<16xi1>, vector<16xf32>
        %parallel_loop3A_303 = arith.mulf %parallel_loop3A_291, %parallel_loop3A_302 : vector<16xf32>
        %parallel_loop3A_304 = arith.mulf %parallel_loop3A_303, %parallel_loop3A_303 : vector<16xf32>
        %parallel_loop3A_305 = arith.addf %parallel_loop3A_217, %parallel_loop3A_304 : vector<16xf32>
        %parallel_loop3A_306 = arith.addf %parallel_loop3A_218, %parallel_loop3A_302 : vector<16xf32>
        %parallel_loop3A_307 = arith.constant 3 : i32
        %parallel_loop3A_308 = arith.index_cast %parallel_loop3A_307 : i32 to index
        %parallel_loop3A_309 = arith.index_cast %parallel_loop3A_212 : i32 to index
        %parallel_loop3A_310 = tpu.vector_load %arg5[%parallel_loop3A_308, %parallel_loop3A_309] {strides = array<i32>} : memref<8x2048xf32, #tpu.memory_space<vmem>>, vector<1x16xf32>,
        %parallel_loop3A_311 = vector.shape_cast %parallel_loop3A_310 : vector<1x16xf32> to vector<16xf32>
        %parallel_loop3A_312 = arith.constant 3 : i32
        %parallel_loop3A_313 = arith.index_cast %parallel_loop3A_312 : i32 to index
        %parallel_loop3A_314 = arith.index_cast %parallel_loop3A_212 : i32 to index
        %parallel_loop3A_315 = tpu.vector_load %arg7[%parallel_loop3A_313, %parallel_loop3A_314] {strides = array<i32>} : memref<8x2048xf32, #tpu.memory_space<vmem>>, vector<1x16xf32>,
        %parallel_loop3A_316 = vector.shape_cast %parallel_loop3A_315 : vector<1x16xf32> to vector<16xf32>
        %parallel_loop3A_317 = arith.subf %parallel_loop3A_311, %parallel_loop3A_316 : vector<16xf32>
        %parallel_loop3A_318 = math.absf %parallel_loop3A_311 : vector<16xf32>
        %parallel_loop3A_319 = math.absf %parallel_loop3A_316 : vector<16xf32>
        %parallel_loop3A_320 = arith.minimumf %parallel_loop3A_318, %parallel_loop3A_319 : vector<16xf32>
        %parallel_loop3A_321 = arith.constant 0.000000e+00 : f32
        %parallel_loop3A_322 = vector.broadcast %parallel_loop3A_321 : f32 to vector<16xf32>
        %parallel_loop3A_323 = arith.cmpf ogt, %parallel_loop3A_320, %parallel_loop3A_322 : vector<16xf32>
        %parallel_loop3A_324 = arith.constant 1.000000e+00 : f32
        %parallel_loop3A_325 = arith.constant 0.000000e+00 : f32
        %parallel_loop3A_326 = vector.broadcast %parallel_loop3A_324 : f32 to vector<16xf32>
        %parallel_loop3A_327 = vector.broadcast %parallel_loop3A_325 : f32 to vector<16xf32>
        %parallel_loop3A_328 = arith.select %parallel_loop3A_323, %parallel_loop3A_326, %parallel_loop3A_327 : vector<16xi1>, vector<16xf32>
        %parallel_loop3A_329 = arith.mulf %parallel_loop3A_317, %parallel_loop3A_328 : vector<16xf32>
        %parallel_loop3A_330 = arith.mulf %parallel_loop3A_329, %parallel_loop3A_329 : vector<16xf32>
        %parallel_loop3A_331 = arith.addf %parallel_loop3A_219, %parallel_loop3A_330 : vector<16xf32>
        %parallel_loop3A_332 = arith.addf %parallel_loop3A_220, %parallel_loop3A_328 : vector<16xf32>
        %parallel_loop3A_333 = arith.constant 4 : i32
        %parallel_loop3A_334 = arith.index_cast %parallel_loop3A_333 : i32 to index
        %parallel_loop3A_335 = arith.index_cast %parallel_loop3A_212 : i32 to index
        %parallel_loop3A_336 = tpu.vector_load %arg5[%parallel_loop3A_334, %parallel_loop3A_335] {strides = array<i32>} : memref<8x2048xf32, #tpu.memory_space<vmem>>, vector<1x16xf32>,
        %parallel_loop3A_337 = vector.shape_cast %parallel_loop3A_336 : vector<1x16xf32> to vector<16xf32>
        %parallel_loop3A_338 = arith.constant 4 : i32
        %parallel_loop3A_339 = arith.index_cast %parallel_loop3A_338 : i32 to index
        %parallel_loop3A_340 = arith.index_cast %parallel_loop3A_212 : i32 to index
        %parallel_loop3A_341 = tpu.vector_load %arg7[%parallel_loop3A_339, %parallel_loop3A_340] {strides = array<i32>} : memref<8x2048xf32, #tpu.memory_space<vmem>>, vector<1x16xf32>,
        %parallel_loop3A_342 = vector.shape_cast %parallel_loop3A_341 : vector<1x16xf32> to vector<16xf32>
        %parallel_loop3A_343 = arith.subf %parallel_loop3A_337, %parallel_loop3A_342 : vector<16xf32>
        %parallel_loop3A_344 = math.absf %parallel_loop3A_337 : vector<16xf32>
        %parallel_loop3A_345 = math.absf %parallel_loop3A_342 : vector<16xf32>
        %parallel_loop3A_346 = arith.minimumf %parallel_loop3A_344, %parallel_loop3A_345 : vector<16xf32>
        %parallel_loop3A_347 = arith.constant 0.000000e+00 : f32
        %parallel_loop3A_348 = vector.broadcast %parallel_loop3A_347 : f32 to vector<16xf32>
        %parallel_loop3A_349 = arith.cmpf ogt, %parallel_loop3A_346, %parallel_loop3A_348 : vector<16xf32>
        %parallel_loop3A_350 = arith.constant 1.000000e+00 : f32
        %parallel_loop3A_351 = arith.constant 0.000000e+00 : f32
        %parallel_loop3A_352 = vector.broadcast %parallel_loop3A_350 : f32 to vector<16xf32>
        %parallel_loop3A_353 = vector.broadcast %parallel_loop3A_351 : f32 to vector<16xf32>
        %parallel_loop3A_354 = arith.select %parallel_loop3A_349, %parallel_loop3A_352, %parallel_loop3A_353 : vector<16xi1>, vector<16xf32>
        %parallel_loop3A_355 = arith.mulf %parallel_loop3A_343, %parallel_loop3A_354 : vector<16xf32>
        %parallel_loop3A_356 = arith.mulf %parallel_loop3A_355, %parallel_loop3A_355 : vector<16xf32>
        %parallel_loop3A_357 = arith.addf %parallel_loop3A_221, %parallel_loop3A_356 : vector<16xf32>
        %parallel_loop3A_358 = arith.addf %parallel_loop3A_222, %parallel_loop3A_354 : vector<16xf32>
        %parallel_loop3A_359 = arith.constant 5 : i32
        %parallel_loop3A_360 = arith.index_cast %parallel_loop3A_359 : i32 to index
        %parallel_loop3A_361 = arith.index_cast %parallel_loop3A_212 : i32 to index
        %parallel_loop3A_362 = tpu.vector_load %arg5[%parallel_loop3A_360, %parallel_loop3A_361] {strides = array<i32>} : memref<8x2048xf32, #tpu.memory_space<vmem>>, vector<1x16xf32>,
        %parallel_loop3A_363 = vector.shape_cast %parallel_loop3A_362 : vector<1x16xf32> to vector<16xf32>
        %parallel_loop3A_364 = arith.constant 5 : i32
        %parallel_loop3A_365 = arith.index_cast %parallel_loop3A_364 : i32 to index
        %parallel_loop3A_366 = arith.index_cast %parallel_loop3A_212 : i32 to index
        %parallel_loop3A_367 = tpu.vector_load %arg7[%parallel_loop3A_365, %parallel_loop3A_366] {strides = array<i32>} : memref<8x2048xf32, #tpu.memory_space<vmem>>, vector<1x16xf32>,
        %parallel_loop3A_368 = vector.shape_cast %parallel_loop3A_367 : vector<1x16xf32> to vector<16xf32>
        %parallel_loop3A_369 = arith.subf %parallel_loop3A_363, %parallel_loop3A_368 : vector<16xf32>
        %parallel_loop3A_370 = math.absf %parallel_loop3A_363 : vector<16xf32>
        %parallel_loop3A_371 = math.absf %parallel_loop3A_368 : vector<16xf32>
        %parallel_loop3A_372 = arith.minimumf %parallel_loop3A_370, %parallel_loop3A_371 : vector<16xf32>
        %parallel_loop3A_373 = arith.constant 0.000000e+00 : f32
        %parallel_loop3A_374 = vector.broadcast %parallel_loop3A_373 : f32 to vector<16xf32>
        %parallel_loop3A_375 = arith.cmpf ogt, %parallel_loop3A_372, %parallel_loop3A_374 : vector<16xf32>
        %parallel_loop3A_376 = arith.constant 1.000000e+00 : f32
        %parallel_loop3A_377 = arith.constant 0.000000e+00 : f32
        %parallel_loop3A_378 = vector.broadcast %parallel_loop3A_376 : f32 to vector<16xf32>
        %parallel_loop3A_379 = vector.broadcast %parallel_loop3A_377 : f32 to vector<16xf32>
        %parallel_loop3A_380 = arith.select %parallel_loop3A_375, %parallel_loop3A_378, %parallel_loop3A_379 : vector<16xi1>, vector<16xf32>
        %parallel_loop3A_381 = arith.mulf %parallel_loop3A_369, %parallel_loop3A_380 : vector<16xf32>
        %parallel_loop3A_382 = arith.mulf %parallel_loop3A_381, %parallel_loop3A_381 : vector<16xf32>
        %parallel_loop3A_383 = arith.addf %parallel_loop3A_223, %parallel_loop3A_382 : vector<16xf32>
        %parallel_loop3A_384 = arith.addf %parallel_loop3A_224, %parallel_loop3A_380 : vector<16xf32>
        %parallel_loop3A_385 = arith.constant 6 : i32
        %parallel_loop3A_386 = arith.index_cast %parallel_loop3A_385 : i32 to index
        %parallel_loop3A_387 = arith.index_cast %parallel_loop3A_212 : i32 to index
        %parallel_loop3A_388 = tpu.vector_load %arg5[%parallel_loop3A_386, %parallel_loop3A_387] {strides = array<i32>} : memref<8x2048xf32, #tpu.memory_space<vmem>>, vector<1x16xf32>,
        %parallel_loop3A_389 = vector.shape_cast %parallel_loop3A_388 : vector<1x16xf32> to vector<16xf32>
        %parallel_loop3A_390 = arith.constant 6 : i32
        %parallel_loop3A_391 = arith.index_cast %parallel_loop3A_390 : i32 to index
        %parallel_loop3A_392 = arith.index_cast %parallel_loop3A_212 : i32 to index
        %parallel_loop3A_393 = tpu.vector_load %arg7[%parallel_loop3A_391, %parallel_loop3A_392] {strides = array<i32>} : memref<8x2048xf32, #tpu.memory_space<vmem>>, vector<1x16xf32>,
        %parallel_loop3A_394 = vector.shape_cast %parallel_loop3A_393 : vector<1x16xf32> to vector<16xf32>
        %parallel_loop3A_395 = arith.subf %parallel_loop3A_389, %parallel_loop3A_394 : vector<16xf32>
        %parallel_loop3A_396 = math.absf %parallel_loop3A_389 : vector<16xf32>
        %parallel_loop3A_397 = math.absf %parallel_loop3A_394 : vector<16xf32>
        %parallel_loop3A_398 = arith.minimumf %parallel_loop3A_396, %parallel_loop3A_397 : vector<16xf32>
        %parallel_loop3A_399 = arith.constant 0.000000e+00 : f32
        %parallel_loop3A_400 = vector.broadcast %parallel_loop3A_399 : f32 to vector<16xf32>
        %parallel_loop3A_401 = arith.cmpf ogt, %parallel_loop3A_398, %parallel_loop3A_400 : vector<16xf32>
        %parallel_loop3A_402 = arith.constant 1.000000e+00 : f32
        %parallel_loop3A_403 = arith.constant 0.000000e+00 : f32
        %parallel_loop3A_404 = vector.broadcast %parallel_loop3A_402 : f32 to vector<16xf32>
        %parallel_loop3A_405 = vector.broadcast %parallel_loop3A_403 : f32 to vector<16xf32>
        %parallel_loop3A_406 = arith.select %parallel_loop3A_401, %parallel_loop3A_404, %parallel_loop3A_405 : vector<16xi1>, vector<16xf32>
        %parallel_loop3A_407 = arith.mulf %parallel_loop3A_395, %parallel_loop3A_406 : vector<16xf32>
        %parallel_loop3A_408 = arith.mulf %parallel_loop3A_407, %parallel_loop3A_407 : vector<16xf32>
        %parallel_loop3A_409 = arith.addf %parallel_loop3A_225, %parallel_loop3A_408 : vector<16xf32>
        %parallel_loop3A_410 = arith.addf %parallel_loop3A_226, %parallel_loop3A_406 : vector<16xf32>
        %parallel_loop3A_411 = arith.constant 7 : i32
        %parallel_loop3A_412 = arith.index_cast %parallel_loop3A_411 : i32 to index
        %parallel_loop3A_413 = arith.index_cast %parallel_loop3A_212 : i32 to index
        %parallel_loop3A_414 = tpu.vector_load %arg5[%parallel_loop3A_412, %parallel_loop3A_413] {strides = array<i32>} : memref<8x2048xf32, #tpu.memory_space<vmem>>, vector<1x16xf32>,
        %parallel_loop3A_415 = vector.shape_cast %parallel_loop3A_414 : vector<1x16xf32> to vector<16xf32>
        %parallel_loop3A_416 = arith.constant 7 : i32
        %parallel_loop3A_417 = arith.index_cast %parallel_loop3A_416 : i32 to index
        %parallel_loop3A_418 = arith.index_cast %parallel_loop3A_212 : i32 to index
        %parallel_loop3A_419 = tpu.vector_load %arg7[%parallel_loop3A_417, %parallel_loop3A_418] {strides = array<i32>} : memref<8x2048xf32, #tpu.memory_space<vmem>>, vector<1x16xf32>,
        %parallel_loop3A_420 = vector.shape_cast %parallel_loop3A_419 : vector<1x16xf32> to vector<16xf32>
        %parallel_loop3A_421 = arith.subf %parallel_loop3A_415, %parallel_loop3A_420 : vector<16xf32>
        %parallel_loop3A_422 = math.absf %parallel_loop3A_415 : vector<16xf32>
        %parallel_loop3A_423 = math.absf %parallel_loop3A_420 : vector<16xf32>
        %parallel_loop3A_424 = arith.minimumf %parallel_loop3A_422, %parallel_loop3A_423 : vector<16xf32>
        %parallel_loop3A_425 = arith.constant 0.000000e+00 : f32
        %parallel_loop3A_426 = vector.broadcast %parallel_loop3A_425 : f32 to vector<16xf32>
        %parallel_loop3A_427 = arith.cmpf ogt, %parallel_loop3A_424, %parallel_loop3A_426 : vector<16xf32>
        %parallel_loop3A_428 = arith.constant 1.000000e+00 : f32
        %parallel_loop3A_429 = arith.constant 0.000000e+00 : f32
        %parallel_loop3A_430 = vector.broadcast %parallel_loop3A_428 : f32 to vector<16xf32>
        %parallel_loop3A_431 = vector.broadcast %parallel_loop3A_429 : f32 to vector<16xf32>
        %parallel_loop3A_432 = arith.select %parallel_loop3A_427, %parallel_loop3A_430, %parallel_loop3A_431 : vector<16xi1>, vector<16xf32>
        %parallel_loop3A_433 = arith.mulf %parallel_loop3A_421, %parallel_loop3A_432 : vector<16xf32>
        %parallel_loop3A_434 = arith.mulf %parallel_loop3A_433, %parallel_loop3A_433 : vector<16xf32>
        %parallel_loop3A_435 = arith.addf %parallel_loop3A_227, %parallel_loop3A_434 : vector<16xf32>
        %parallel_loop3A_436 = arith.addf %parallel_loop3A_228, %parallel_loop3A_432 : vector<16xf32>
        scf.yield %parallel_loop3A_253, %parallel_loop3A_254, %parallel_loop3A_279, %parallel_loop3A_280, %parallel_loop3A_305, %parallel_loop3A_306, %parallel_loop3A_331, %parallel_loop3A_332, %parallel_loop3A_357, %parallel_loop3A_358, %parallel_loop3A_383, %parallel_loop3A_384, %parallel_loop3A_409, %parallel_loop3A_410, %parallel_loop3A_435, %parallel_loop3A_436 : vector<16xf32>, vector<16xf32>, vector<16xf32>, vector<16xf32>, vector<16xf32>, vector<16xf32>, vector<16xf32>, vector<16xf32>, vector<16xf32>, vector<16xf32>, vector<16xf32>, vector<16xf32>, vector<16xf32>, vector<16xf32>, vector<16xf32>, vector<16xf32>
      } {sc.loop_unroll_factor = 1 : i64, sc.parallel_access}
      %add3A_101 = arith.addf %parallel_loop3A_100#0, %parallel_loop3A_100#2 : vector<16xf32>
      %add3A_102 = arith.addf %add3A_101, %parallel_loop3A_100#4 : vector<16xf32>
      %add3A_103 = arith.addf %add3A_102, %parallel_loop3A_100#6 : vector<16xf32>
      %add3A_104 = arith.addf %add3A_103, %parallel_loop3A_100#8 : vector<16xf32>
      %add3A_105 = arith.addf %add3A_104, %parallel_loop3A_100#10 : vector<16xf32>
      %add3A_106 = arith.addf %add3A_105, %parallel_loop3A_100#12 : vector<16xf32>
      %add3A_107 = arith.addf %add3A_106, %parallel_loop3A_100#14 : vector<16xf32>
      %add3A_108 = arith.addf %parallel_loop3A_100#1, %parallel_loop3A_100#3 : vector<16xf32>
      %add3A_109 = arith.addf %add3A_108, %parallel_loop3A_100#5 : vector<16xf32>
      %add3A_110 = arith.addf %add3A_109, %parallel_loop3A_100#7 : vector<16xf32>
      %add3A_111 = arith.addf %add3A_110, %parallel_loop3A_100#9 : vector<16xf32>
      %add3A_112 = arith.addf %add3A_111, %parallel_loop3A_100#11 : vector<16xf32>
      %add3A_113 = arith.addf %add3A_112, %parallel_loop3A_100#13 : vector<16xf32>
      %add3A_114 = arith.addf %add3A_113, %parallel_loop3A_100#15 : vector<16xf32>
      %get3A = arith.constant 0 : i32
      %get3A_115 = arith.index_cast %get3A : i32 to index
      %get3A_116 = arith.constant 0 : index
      %get3A_117 = tpu.vector_load %arg9[%get3A_115, %get3A_116] {strides = array<i32>} : memref<2x16xf32, #tpu.memory_space<vmem>>, vector<1x16xf32>,
      %get3A_118 = vector.shape_cast %get3A_117 : vector<1x16xf32> to vector<16xf32>
      %add3A_119 = arith.addf %get3A_118, %add3A_107 : vector<16xf32>
      %swap3A_120 = arith.constant 0 : i32
      %swap3A_121 = arith.index_cast %swap3A_120 : i32 to index
      %swap3A_122 = arith.constant 0 : index
      %swap3A_123 = tpu.vector_load %arg9[%swap3A_121, %swap3A_122] {strides = array<i32>} : memref<2x16xf32, #tpu.memory_space<vmem>>, vector<1x16xf32>,
      %swap3A_124 = vector.shape_cast %swap3A_123 : vector<1x16xf32> to vector<16xf32>
      %swap3A_125 = vector.shape_cast %add3A_119 : vector<16xf32> to vector<1x16xf32>
      tpu.vector_store %arg9[%swap3A_121, %swap3A_122], %swap3A_125 {strides = array<i32>} : memref<2x16xf32, #tpu.memory_space<vmem>>, vector<1x16xf32>,
      %get3A_126 = arith.constant 1 : i32
      %get3A_127 = arith.index_cast %get3A_126 : i32 to index
      %get3A_128 = arith.constant 0 : index
      %get3A_129 = tpu.vector_load %arg9[%get3A_127, %get3A_128] {strides = array<i32>} : memref<2x16xf32, #tpu.memory_space<vmem>>, vector<1x16xf32>,
      %get3A_130 = vector.shape_cast %get3A_129 : vector<1x16xf32> to vector<16xf32>
      %add3A_131 = arith.addf %get3A_130, %add3A_114 : vector<16xf32>
      %swap3A_132 = arith.constant 1 : i32
      %swap3A_133 = arith.index_cast %swap3A_132 : i32 to index
      %swap3A_134 = arith.constant 0 : index
      %swap3A_135 = tpu.vector_load %arg9[%swap3A_133, %swap3A_134] {strides = array<i32>} : memref<2x16xf32, #tpu.memory_space<vmem>>, vector<1x16xf32>,
      %swap3A_136 = vector.shape_cast %swap3A_135 : vector<1x16xf32> to vector<16xf32>
      %swap3A_137 = vector.shape_cast %add3A_131 : vector<16xf32> to vector<1x16xf32>
      tpu.vector_store %arg9[%swap3A_133, %swap3A_134], %swap3A_137 {strides = array<i32>} : memref<2x16xf32, #tpu.memory_space<vmem>>, vector<1x16xf32>,
      %add3A_138 = arith.constant 2 : i32
      %add3A_139 = arith.addi %add3A_80, %add3A_138 : i32
      %lt3A_140 = arith.constant 4 : i32
      %lt3A_141 = arith.cmpi slt, %add3A_139, %lt3A_140 : i32
      %convert_element_type3A = arith.extui %lt3A_141 : i1 to i32
      %cond3A = arith.constant 0 : i32
      %cond3A_142 = arith.cmpi ne, %convert_element_type3A, %cond3A : i32
      scf.if %cond3A_142 {
        %add3A_212 = arith.constant 2 : i32
        %add3A_213 = arith.addi %add3A_80, %add3A_212 : i32
        %mul3A_214 = arith.constant 8 : i32
        %mul3A_215 = arith.muli %add3A_213, %mul3A_214 : i32
        %add3A_216 = arith.addi %mul3A_32, %mul3A_215 : i32
        %dma_start3A_217 = arith.constant 0 : i32
        %dma_start3A_218 = tpu.memref_slice %arg2[%select_n3A, %add3A_216, %dma_start3A_217] : memref<2x8192x2048xf32, #tpu.memory_space<hbm>> -> memref<1x8x2048xf32, #tpu.memory_space<hbm>>
        %dma_start3A_219 = tpu.memref_squeeze %dma_start3A_218 : memref<1x8x2048xf32, #tpu.memory_space<hbm>> -> memref<8x2048xf32, #tpu.memory_space<hbm>>
        %dma_start3A_220 = arith.constant 0 : i32
        %dma_start3A_221 = tpu.memref_slice %arg2[%select_n3A, %add3A_216, %dma_start3A_220] : memref<2x8192x2048xf32, #tpu.memory_space<hbm>> -> memref<1x8x2048xf32, #tpu.memory_space<hbm>>
        %dma_start3A_222 = tpu.memref_squeeze %dma_start3A_221 : memref<1x8x2048xf32, #tpu.memory_space<hbm>> -> memref<8x2048xf32, #tpu.memory_space<hbm>>
        tpu.enqueue_dma source(%dma_start3A_222 : memref<8x2048xf32, #tpu.memory_space<hbm>>) target(%arg5 : memref<8x2048xf32, #tpu.memory_space<vmem>>) target_semaphore(%arg10 : memref<!tpu.dma_semaphore, #tpu.memory_space<semaphore_mem>>)
        %dma_start3A_223 = arith.constant 0 : i32
        %dma_start3A_224 = tpu.memref_slice %arg3[%select_n3A, %add3A_216, %dma_start3A_223] : memref<2x8192x2048xf32, #tpu.memory_space<hbm>> -> memref<1x8x2048xf32, #tpu.memory_space<hbm>>
        %dma_start3A_225 = tpu.memref_squeeze %dma_start3A_224 : memref<1x8x2048xf32, #tpu.memory_space<hbm>> -> memref<8x2048xf32, #tpu.memory_space<hbm>>
        %dma_start3A_226 = arith.constant 0 : i32
        %dma_start3A_227 = tpu.memref_slice %arg3[%select_n3A, %add3A_216, %dma_start3A_226] : memref<2x8192x2048xf32, #tpu.memory_space<hbm>> -> memref<1x8x2048xf32, #tpu.memory_space<hbm>>
        %dma_start3A_228 = tpu.memref_squeeze %dma_start3A_227 : memref<1x8x2048xf32, #tpu.memory_space<hbm>> -> memref<8x2048xf32, #tpu.memory_space<hbm>>
        tpu.enqueue_dma source(%dma_start3A_228 : memref<8x2048xf32, #tpu.memory_space<hbm>>) target(%arg7 : memref<8x2048xf32, #tpu.memory_space<vmem>>) target_semaphore(%arg10 : memref<!tpu.dma_semaphore, #tpu.memory_space<semaphore_mem>>)
      } else {
      }
      %add3A_143 = arith.constant 1 : i32
      %add3A_144 = arith.addi %add3A_78, %add3A_143 : i32
      %dma_wait3A_145 = arith.constant 0 : i32
      %dma_wait3A_146 = arith.constant 0 : i32
      %dma_wait3A_147 = arith.constant 0 : i32
      %dma_wait3A_148 = tpu.memref_slice %arg2[%dma_wait3A_145, %dma_wait3A_146, %dma_wait3A_147] : memref<2x8192x2048xf32, #tpu.memory_space<hbm>> -> memref<1x8x2048xf32, #tpu.memory_space<hbm>>
      %dma_wait3A_149 = tpu.memref_squeeze %dma_wait3A_148 : memref<1x8x2048xf32, #tpu.memory_space<hbm>> -> memref<8x2048xf32, #tpu.memory_space<hbm>>
      %dma_wait3A_150 = arith.constant 0 : i32
      %dma_wait3A_151 = arith.constant 0 : i32
      %dma_wait3A_152 = tpu.memref_slice %arg2[%dma_wait3A_145, %dma_wait3A_150, %dma_wait3A_151] : memref<2x8192x2048xf32, #tpu.memory_space<hbm>> -> memref<1x8x2048xf32, #tpu.memory_space<hbm>>
      %dma_wait3A_153 = tpu.memref_squeeze %dma_wait3A_152 : memref<1x8x2048xf32, #tpu.memory_space<hbm>> -> memref<8x2048xf32, #tpu.memory_space<hbm>>
      tpu.wait_dma2 semaphore(%arg11 : memref<!tpu.dma_semaphore, #tpu.memory_space<semaphore_mem>>) src(%dma_wait3A_153 : memref<8x2048xf32, #tpu.memory_space<hbm>>) dst(%arg6 : memref<8x2048xf32, #tpu.memory_space<vmem>>)
      %dma_wait3A_154 = arith.constant 0 : i32
      %dma_wait3A_155 = arith.constant 0 : i32
      %dma_wait3A_156 = arith.constant 0 : i32
      %dma_wait3A_157 = tpu.memref_slice %arg3[%dma_wait3A_154, %dma_wait3A_155, %dma_wait3A_156] : memref<2x8192x2048xf32, #tpu.memory_space<hbm>> -> memref<1x8x2048xf32, #tpu.memory_space<hbm>>
      %dma_wait3A_158 = tpu.memref_squeeze %dma_wait3A_157 : memref<1x8x2048xf32, #tpu.memory_space<hbm>> -> memref<8x2048xf32, #tpu.memory_space<hbm>>
      %dma_wait3A_159 = arith.constant 0 : i32
      %dma_wait3A_160 = arith.constant 0 : i32
      %dma_wait3A_161 = tpu.memref_slice %arg3[%dma_wait3A_154, %dma_wait3A_159, %dma_wait3A_160] : memref<2x8192x2048xf32, #tpu.memory_space<hbm>> -> memref<1x8x2048xf32, #tpu.memory_space<hbm>>
      %dma_wait3A_162 = tpu.memref_squeeze %dma_wait3A_161 : memref<1x8x2048xf32, #tpu.memory_space<hbm>> -> memref<8x2048xf32, #tpu.memory_space<hbm>>
      tpu.wait_dma2 semaphore(%arg11 : memref<!tpu.dma_semaphore, #tpu.memory_space<semaphore_mem>>) src(%dma_wait3A_162 : memref<8x2048xf32, #tpu.memory_space<hbm>>) dst(%arg8 : memref<8x2048xf32, #tpu.memory_space<vmem>>)
      %parallel_loop3A_163 = arith.constant 0 : i32
      %parallel_loop3A_164 = arith.constant 2048 : i32
      %parallel_loop3A_165 = arith.constant 16 : i32
      %parallel_loop3A_166:16 = scf.for %parallel_loop3A_212 = %parallel_loop3A_163 to %parallel_loop3A_164 step %parallel_loop3A_165 iter_args(%parallel_loop3A_213 = %broadcast_in_dim3A_66, %parallel_loop3A_214 = %broadcast_in_dim3A_66, %parallel_loop3A_215 = %broadcast_in_dim3A_66, %parallel_loop3A_216 = %broadcast_in_dim3A_66, %parallel_loop3A_217 = %broadcast_in_dim3A_66, %parallel_loop3A_218 = %broadcast_in_dim3A_66, %parallel_loop3A_219 = %broadcast_in_dim3A_66, %parallel_loop3A_220 = %broadcast_in_dim3A_66, %parallel_loop3A_221 = %broadcast_in_dim3A_66, %parallel_loop3A_222 = %broadcast_in_dim3A_66, %parallel_loop3A_223 = %broadcast_in_dim3A_66, %parallel_loop3A_224 = %broadcast_in_dim3A_66, %parallel_loop3A_225 = %broadcast_in_dim3A_66, %parallel_loop3A_226 = %broadcast_in_dim3A_66, %parallel_loop3A_227 = %broadcast_in_dim3A_66, %parallel_loop3A_228 = %broadcast_in_dim3A_66) -> (vector<16xf32>, vector<16xf32>, vector<16xf32>, vector<16xf32>, vector<16xf32>, vector<16xf32>, vector<16xf32>, vector<16xf32>, vector<16xf32>, vector<16xf32>, vector<16xf32>, vector<16xf32>, vector<16xf32>, vector<16xf32>, vector<16xf32>, vector<16xf32>)  : i32 {
        %parallel_loop3A_229 = arith.constant 0 : i32
        %parallel_loop3A_230 = arith.index_cast %parallel_loop3A_229 : i32 to index
        %parallel_loop3A_231 = arith.index_cast %parallel_loop3A_212 : i32 to index
        %parallel_loop3A_232 = tpu.vector_load %arg6[%parallel_loop3A_230, %parallel_loop3A_231] {strides = array<i32>} : memref<8x2048xf32, #tpu.memory_space<vmem>>, vector<1x16xf32>,
        %parallel_loop3A_233 = vector.shape_cast %parallel_loop3A_232 : vector<1x16xf32> to vector<16xf32>
        %parallel_loop3A_234 = arith.constant 0 : i32
        %parallel_loop3A_235 = arith.index_cast %parallel_loop3A_234 : i32 to index
        %parallel_loop3A_236 = arith.index_cast %parallel_loop3A_212 : i32 to index
        %parallel_loop3A_237 = tpu.vector_load %arg8[%parallel_loop3A_235, %parallel_loop3A_236] {strides = array<i32>} : memref<8x2048xf32, #tpu.memory_space<vmem>>, vector<1x16xf32>,
        %parallel_loop3A_238 = vector.shape_cast %parallel_loop3A_237 : vector<1x16xf32> to vector<16xf32>
        %parallel_loop3A_239 = arith.subf %parallel_loop3A_233, %parallel_loop3A_238 : vector<16xf32>
        %parallel_loop3A_240 = math.absf %parallel_loop3A_233 : vector<16xf32>
        %parallel_loop3A_241 = math.absf %parallel_loop3A_238 : vector<16xf32>
        %parallel_loop3A_242 = arith.minimumf %parallel_loop3A_240, %parallel_loop3A_241 : vector<16xf32>
        %parallel_loop3A_243 = arith.constant 0.000000e+00 : f32
        %parallel_loop3A_244 = vector.broadcast %parallel_loop3A_243 : f32 to vector<16xf32>
        %parallel_loop3A_245 = arith.cmpf ogt, %parallel_loop3A_242, %parallel_loop3A_244 : vector<16xf32>
        %parallel_loop3A_246 = arith.constant 1.000000e+00 : f32
        %parallel_loop3A_247 = arith.constant 0.000000e+00 : f32
        %parallel_loop3A_248 = vector.broadcast %parallel_loop3A_246 : f32 to vector<16xf32>
        %parallel_loop3A_249 = vector.broadcast %parallel_loop3A_247 : f32 to vector<16xf32>
        %parallel_loop3A_250 = arith.select %parallel_loop3A_245, %parallel_loop3A_248, %parallel_loop3A_249 : vector<16xi1>, vector<16xf32>
        %parallel_loop3A_251 = arith.mulf %parallel_loop3A_239, %parallel_loop3A_250 : vector<16xf32>
        %parallel_loop3A_252 = arith.mulf %parallel_loop3A_251, %parallel_loop3A_251 : vector<16xf32>
        %parallel_loop3A_253 = arith.addf %parallel_loop3A_213, %parallel_loop3A_252 : vector<16xf32>
        %parallel_loop3A_254 = arith.addf %parallel_loop3A_214, %parallel_loop3A_250 : vector<16xf32>
        %parallel_loop3A_255 = arith.constant 1 : i32
        %parallel_loop3A_256 = arith.index_cast %parallel_loop3A_255 : i32 to index
        %parallel_loop3A_257 = arith.index_cast %parallel_loop3A_212 : i32 to index
        %parallel_loop3A_258 = tpu.vector_load %arg6[%parallel_loop3A_256, %parallel_loop3A_257] {strides = array<i32>} : memref<8x2048xf32, #tpu.memory_space<vmem>>, vector<1x16xf32>,
        %parallel_loop3A_259 = vector.shape_cast %parallel_loop3A_258 : vector<1x16xf32> to vector<16xf32>
        %parallel_loop3A_260 = arith.constant 1 : i32
        %parallel_loop3A_261 = arith.index_cast %parallel_loop3A_260 : i32 to index
        %parallel_loop3A_262 = arith.index_cast %parallel_loop3A_212 : i32 to index
        %parallel_loop3A_263 = tpu.vector_load %arg8[%parallel_loop3A_261, %parallel_loop3A_262] {strides = array<i32>} : memref<8x2048xf32, #tpu.memory_space<vmem>>, vector<1x16xf32>,
        %parallel_loop3A_264 = vector.shape_cast %parallel_loop3A_263 : vector<1x16xf32> to vector<16xf32>
        %parallel_loop3A_265 = arith.subf %parallel_loop3A_259, %parallel_loop3A_264 : vector<16xf32>
        %parallel_loop3A_266 = math.absf %parallel_loop3A_259 : vector<16xf32>
        %parallel_loop3A_267 = math.absf %parallel_loop3A_264 : vector<16xf32>
        %parallel_loop3A_268 = arith.minimumf %parallel_loop3A_266, %parallel_loop3A_267 : vector<16xf32>
        %parallel_loop3A_269 = arith.constant 0.000000e+00 : f32
        %parallel_loop3A_270 = vector.broadcast %parallel_loop3A_269 : f32 to vector<16xf32>
        %parallel_loop3A_271 = arith.cmpf ogt, %parallel_loop3A_268, %parallel_loop3A_270 : vector<16xf32>
        %parallel_loop3A_272 = arith.constant 1.000000e+00 : f32
        %parallel_loop3A_273 = arith.constant 0.000000e+00 : f32
        %parallel_loop3A_274 = vector.broadcast %parallel_loop3A_272 : f32 to vector<16xf32>
        %parallel_loop3A_275 = vector.broadcast %parallel_loop3A_273 : f32 to vector<16xf32>
        %parallel_loop3A_276 = arith.select %parallel_loop3A_271, %parallel_loop3A_274, %parallel_loop3A_275 : vector<16xi1>, vector<16xf32>
        %parallel_loop3A_277 = arith.mulf %parallel_loop3A_265, %parallel_loop3A_276 : vector<16xf32>
        %parallel_loop3A_278 = arith.mulf %parallel_loop3A_277, %parallel_loop3A_277 : vector<16xf32>
        %parallel_loop3A_279 = arith.addf %parallel_loop3A_215, %parallel_loop3A_278 : vector<16xf32>
        %parallel_loop3A_280 = arith.addf %parallel_loop3A_216, %parallel_loop3A_276 : vector<16xf32>
        %parallel_loop3A_281 = arith.constant 2 : i32
        %parallel_loop3A_282 = arith.index_cast %parallel_loop3A_281 : i32 to index
        %parallel_loop3A_283 = arith.index_cast %parallel_loop3A_212 : i32 to index
        %parallel_loop3A_284 = tpu.vector_load %arg6[%parallel_loop3A_282, %parallel_loop3A_283] {strides = array<i32>} : memref<8x2048xf32, #tpu.memory_space<vmem>>, vector<1x16xf32>,
        %parallel_loop3A_285 = vector.shape_cast %parallel_loop3A_284 : vector<1x16xf32> to vector<16xf32>
        %parallel_loop3A_286 = arith.constant 2 : i32
        %parallel_loop3A_287 = arith.index_cast %parallel_loop3A_286 : i32 to index
        %parallel_loop3A_288 = arith.index_cast %parallel_loop3A_212 : i32 to index
        %parallel_loop3A_289 = tpu.vector_load %arg8[%parallel_loop3A_287, %parallel_loop3A_288] {strides = array<i32>} : memref<8x2048xf32, #tpu.memory_space<vmem>>, vector<1x16xf32>,
        %parallel_loop3A_290 = vector.shape_cast %parallel_loop3A_289 : vector<1x16xf32> to vector<16xf32>
        %parallel_loop3A_291 = arith.subf %parallel_loop3A_285, %parallel_loop3A_290 : vector<16xf32>
        %parallel_loop3A_292 = math.absf %parallel_loop3A_285 : vector<16xf32>
        %parallel_loop3A_293 = math.absf %parallel_loop3A_290 : vector<16xf32>
        %parallel_loop3A_294 = arith.minimumf %parallel_loop3A_292, %parallel_loop3A_293 : vector<16xf32>
        %parallel_loop3A_295 = arith.constant 0.000000e+00 : f32
        %parallel_loop3A_296 = vector.broadcast %parallel_loop3A_295 : f32 to vector<16xf32>
        %parallel_loop3A_297 = arith.cmpf ogt, %parallel_loop3A_294, %parallel_loop3A_296 : vector<16xf32>
        %parallel_loop3A_298 = arith.constant 1.000000e+00 : f32
        %parallel_loop3A_299 = arith.constant 0.000000e+00 : f32
        %parallel_loop3A_300 = vector.broadcast %parallel_loop3A_298 : f32 to vector<16xf32>
        %parallel_loop3A_301 = vector.broadcast %parallel_loop3A_299 : f32 to vector<16xf32>
        %parallel_loop3A_302 = arith.select %parallel_loop3A_297, %parallel_loop3A_300, %parallel_loop3A_301 : vector<16xi1>, vector<16xf32>
        %parallel_loop3A_303 = arith.mulf %parallel_loop3A_291, %parallel_loop3A_302 : vector<16xf32>
        %parallel_loop3A_304 = arith.mulf %parallel_loop3A_303, %parallel_loop3A_303 : vector<16xf32>
        %parallel_loop3A_305 = arith.addf %parallel_loop3A_217, %parallel_loop3A_304 : vector<16xf32>
        %parallel_loop3A_306 = arith.addf %parallel_loop3A_218, %parallel_loop3A_302 : vector<16xf32>
        %parallel_loop3A_307 = arith.constant 3 : i32
        %parallel_loop3A_308 = arith.index_cast %parallel_loop3A_307 : i32 to index
        %parallel_loop3A_309 = arith.index_cast %parallel_loop3A_212 : i32 to index
        %parallel_loop3A_310 = tpu.vector_load %arg6[%parallel_loop3A_308, %parallel_loop3A_309] {strides = array<i32>} : memref<8x2048xf32, #tpu.memory_space<vmem>>, vector<1x16xf32>,
        %parallel_loop3A_311 = vector.shape_cast %parallel_loop3A_310 : vector<1x16xf32> to vector<16xf32>
        %parallel_loop3A_312 = arith.constant 3 : i32
        %parallel_loop3A_313 = arith.index_cast %parallel_loop3A_312 : i32 to index
        %parallel_loop3A_314 = arith.index_cast %parallel_loop3A_212 : i32 to index
        %parallel_loop3A_315 = tpu.vector_load %arg8[%parallel_loop3A_313, %parallel_loop3A_314] {strides = array<i32>} : memref<8x2048xf32, #tpu.memory_space<vmem>>, vector<1x16xf32>,
        %parallel_loop3A_316 = vector.shape_cast %parallel_loop3A_315 : vector<1x16xf32> to vector<16xf32>
        %parallel_loop3A_317 = arith.subf %parallel_loop3A_311, %parallel_loop3A_316 : vector<16xf32>
        %parallel_loop3A_318 = math.absf %parallel_loop3A_311 : vector<16xf32>
        %parallel_loop3A_319 = math.absf %parallel_loop3A_316 : vector<16xf32>
        %parallel_loop3A_320 = arith.minimumf %parallel_loop3A_318, %parallel_loop3A_319 : vector<16xf32>
        %parallel_loop3A_321 = arith.constant 0.000000e+00 : f32
        %parallel_loop3A_322 = vector.broadcast %parallel_loop3A_321 : f32 to vector<16xf32>
        %parallel_loop3A_323 = arith.cmpf ogt, %parallel_loop3A_320, %parallel_loop3A_322 : vector<16xf32>
        %parallel_loop3A_324 = arith.constant 1.000000e+00 : f32
        %parallel_loop3A_325 = arith.constant 0.000000e+00 : f32
        %parallel_loop3A_326 = vector.broadcast %parallel_loop3A_324 : f32 to vector<16xf32>
        %parallel_loop3A_327 = vector.broadcast %parallel_loop3A_325 : f32 to vector<16xf32>
        %parallel_loop3A_328 = arith.select %parallel_loop3A_323, %parallel_loop3A_326, %parallel_loop3A_327 : vector<16xi1>, vector<16xf32>
        %parallel_loop3A_329 = arith.mulf %parallel_loop3A_317, %parallel_loop3A_328 : vector<16xf32>
        %parallel_loop3A_330 = arith.mulf %parallel_loop3A_329, %parallel_loop3A_329 : vector<16xf32>
        %parallel_loop3A_331 = arith.addf %parallel_loop3A_219, %parallel_loop3A_330 : vector<16xf32>
        %parallel_loop3A_332 = arith.addf %parallel_loop3A_220, %parallel_loop3A_328 : vector<16xf32>
        %parallel_loop3A_333 = arith.constant 4 : i32
        %parallel_loop3A_334 = arith.index_cast %parallel_loop3A_333 : i32 to index
        %parallel_loop3A_335 = arith.index_cast %parallel_loop3A_212 : i32 to index
        %parallel_loop3A_336 = tpu.vector_load %arg6[%parallel_loop3A_334, %parallel_loop3A_335] {strides = array<i32>} : memref<8x2048xf32, #tpu.memory_space<vmem>>, vector<1x16xf32>,
        %parallel_loop3A_337 = vector.shape_cast %parallel_loop3A_336 : vector<1x16xf32> to vector<16xf32>
        %parallel_loop3A_338 = arith.constant 4 : i32
        %parallel_loop3A_339 = arith.index_cast %parallel_loop3A_338 : i32 to index
        %parallel_loop3A_340 = arith.index_cast %parallel_loop3A_212 : i32 to index
        %parallel_loop3A_341 = tpu.vector_load %arg8[%parallel_loop3A_339, %parallel_loop3A_340] {strides = array<i32>} : memref<8x2048xf32, #tpu.memory_space<vmem>>, vector<1x16xf32>,
        %parallel_loop3A_342 = vector.shape_cast %parallel_loop3A_341 : vector<1x16xf32> to vector<16xf32>
        %parallel_loop3A_343 = arith.subf %parallel_loop3A_337, %parallel_loop3A_342 : vector<16xf32>
        %parallel_loop3A_344 = math.absf %parallel_loop3A_337 : vector<16xf32>
        %parallel_loop3A_345 = math.absf %parallel_loop3A_342 : vector<16xf32>
        %parallel_loop3A_346 = arith.minimumf %parallel_loop3A_344, %parallel_loop3A_345 : vector<16xf32>
        %parallel_loop3A_347 = arith.constant 0.000000e+00 : f32
        %parallel_loop3A_348 = vector.broadcast %parallel_loop3A_347 : f32 to vector<16xf32>
        %parallel_loop3A_349 = arith.cmpf ogt, %parallel_loop3A_346, %parallel_loop3A_348 : vector<16xf32>
        %parallel_loop3A_350 = arith.constant 1.000000e+00 : f32
        %parallel_loop3A_351 = arith.constant 0.000000e+00 : f32
        %parallel_loop3A_352 = vector.broadcast %parallel_loop3A_350 : f32 to vector<16xf32>
        %parallel_loop3A_353 = vector.broadcast %parallel_loop3A_351 : f32 to vector<16xf32>
        %parallel_loop3A_354 = arith.select %parallel_loop3A_349, %parallel_loop3A_352, %parallel_loop3A_353 : vector<16xi1>, vector<16xf32>
        %parallel_loop3A_355 = arith.mulf %parallel_loop3A_343, %parallel_loop3A_354 : vector<16xf32>
        %parallel_loop3A_356 = arith.mulf %parallel_loop3A_355, %parallel_loop3A_355 : vector<16xf32>
        %parallel_loop3A_357 = arith.addf %parallel_loop3A_221, %parallel_loop3A_356 : vector<16xf32>
        %parallel_loop3A_358 = arith.addf %parallel_loop3A_222, %parallel_loop3A_354 : vector<16xf32>
        %parallel_loop3A_359 = arith.constant 5 : i32
        %parallel_loop3A_360 = arith.index_cast %parallel_loop3A_359 : i32 to index
        %parallel_loop3A_361 = arith.index_cast %parallel_loop3A_212 : i32 to index
        %parallel_loop3A_362 = tpu.vector_load %arg6[%parallel_loop3A_360, %parallel_loop3A_361] {strides = array<i32>} : memref<8x2048xf32, #tpu.memory_space<vmem>>, vector<1x16xf32>,
        %parallel_loop3A_363 = vector.shape_cast %parallel_loop3A_362 : vector<1x16xf32> to vector<16xf32>
        %parallel_loop3A_364 = arith.constant 5 : i32
        %parallel_loop3A_365 = arith.index_cast %parallel_loop3A_364 : i32 to index
        %parallel_loop3A_366 = arith.index_cast %parallel_loop3A_212 : i32 to index
        %parallel_loop3A_367 = tpu.vector_load %arg8[%parallel_loop3A_365, %parallel_loop3A_366] {strides = array<i32>} : memref<8x2048xf32, #tpu.memory_space<vmem>>, vector<1x16xf32>,
        %parallel_loop3A_368 = vector.shape_cast %parallel_loop3A_367 : vector<1x16xf32> to vector<16xf32>
        %parallel_loop3A_369 = arith.subf %parallel_loop3A_363, %parallel_loop3A_368 : vector<16xf32>
        %parallel_loop3A_370 = math.absf %parallel_loop3A_363 : vector<16xf32>
        %parallel_loop3A_371 = math.absf %parallel_loop3A_368 : vector<16xf32>
        %parallel_loop3A_372 = arith.minimumf %parallel_loop3A_370, %parallel_loop3A_371 : vector<16xf32>
        %parallel_loop3A_373 = arith.constant 0.000000e+00 : f32
        %parallel_loop3A_374 = vector.broadcast %parallel_loop3A_373 : f32 to vector<16xf32>
        %parallel_loop3A_375 = arith.cmpf ogt, %parallel_loop3A_372, %parallel_loop3A_374 : vector<16xf32>
        %parallel_loop3A_376 = arith.constant 1.000000e+00 : f32
        %parallel_loop3A_377 = arith.constant 0.000000e+00 : f32
        %parallel_loop3A_378 = vector.broadcast %parallel_loop3A_376 : f32 to vector<16xf32>
        %parallel_loop3A_379 = vector.broadcast %parallel_loop3A_377 : f32 to vector<16xf32>
        %parallel_loop3A_380 = arith.select %parallel_loop3A_375, %parallel_loop3A_378, %parallel_loop3A_379 : vector<16xi1>, vector<16xf32>
        %parallel_loop3A_381 = arith.mulf %parallel_loop3A_369, %parallel_loop3A_380 : vector<16xf32>
        %parallel_loop3A_382 = arith.mulf %parallel_loop3A_381, %parallel_loop3A_381 : vector<16xf32>
        %parallel_loop3A_383 = arith.addf %parallel_loop3A_223, %parallel_loop3A_382 : vector<16xf32>
        %parallel_loop3A_384 = arith.addf %parallel_loop3A_224, %parallel_loop3A_380 : vector<16xf32>
        %parallel_loop3A_385 = arith.constant 6 : i32
        %parallel_loop3A_386 = arith.index_cast %parallel_loop3A_385 : i32 to index
        %parallel_loop3A_387 = arith.index_cast %parallel_loop3A_212 : i32 to index
        %parallel_loop3A_388 = tpu.vector_load %arg6[%parallel_loop3A_386, %parallel_loop3A_387] {strides = array<i32>} : memref<8x2048xf32, #tpu.memory_space<vmem>>, vector<1x16xf32>,
        %parallel_loop3A_389 = vector.shape_cast %parallel_loop3A_388 : vector<1x16xf32> to vector<16xf32>
        %parallel_loop3A_390 = arith.constant 6 : i32
        %parallel_loop3A_391 = arith.index_cast %parallel_loop3A_390 : i32 to index
        %parallel_loop3A_392 = arith.index_cast %parallel_loop3A_212 : i32 to index
        %parallel_loop3A_393 = tpu.vector_load %arg8[%parallel_loop3A_391, %parallel_loop3A_392] {strides = array<i32>} : memref<8x2048xf32, #tpu.memory_space<vmem>>, vector<1x16xf32>,
        %parallel_loop3A_394 = vector.shape_cast %parallel_loop3A_393 : vector<1x16xf32> to vector<16xf32>
        %parallel_loop3A_395 = arith.subf %parallel_loop3A_389, %parallel_loop3A_394 : vector<16xf32>
        %parallel_loop3A_396 = math.absf %parallel_loop3A_389 : vector<16xf32>
        %parallel_loop3A_397 = math.absf %parallel_loop3A_394 : vector<16xf32>
        %parallel_loop3A_398 = arith.minimumf %parallel_loop3A_396, %parallel_loop3A_397 : vector<16xf32>
        %parallel_loop3A_399 = arith.constant 0.000000e+00 : f32
        %parallel_loop3A_400 = vector.broadcast %parallel_loop3A_399 : f32 to vector<16xf32>
        %parallel_loop3A_401 = arith.cmpf ogt, %parallel_loop3A_398, %parallel_loop3A_400 : vector<16xf32>
        %parallel_loop3A_402 = arith.constant 1.000000e+00 : f32
        %parallel_loop3A_403 = arith.constant 0.000000e+00 : f32
        %parallel_loop3A_404 = vector.broadcast %parallel_loop3A_402 : f32 to vector<16xf32>
        %parallel_loop3A_405 = vector.broadcast %parallel_loop3A_403 : f32 to vector<16xf32>
        %parallel_loop3A_406 = arith.select %parallel_loop3A_401, %parallel_loop3A_404, %parallel_loop3A_405 : vector<16xi1>, vector<16xf32>
        %parallel_loop3A_407 = arith.mulf %parallel_loop3A_395, %parallel_loop3A_406 : vector<16xf32>
        %parallel_loop3A_408 = arith.mulf %parallel_loop3A_407, %parallel_loop3A_407 : vector<16xf32>
        %parallel_loop3A_409 = arith.addf %parallel_loop3A_225, %parallel_loop3A_408 : vector<16xf32>
        %parallel_loop3A_410 = arith.addf %parallel_loop3A_226, %parallel_loop3A_406 : vector<16xf32>
        %parallel_loop3A_411 = arith.constant 7 : i32
        %parallel_loop3A_412 = arith.index_cast %parallel_loop3A_411 : i32 to index
        %parallel_loop3A_413 = arith.index_cast %parallel_loop3A_212 : i32 to index
        %parallel_loop3A_414 = tpu.vector_load %arg6[%parallel_loop3A_412, %parallel_loop3A_413] {strides = array<i32>} : memref<8x2048xf32, #tpu.memory_space<vmem>>, vector<1x16xf32>,
        %parallel_loop3A_415 = vector.shape_cast %parallel_loop3A_414 : vector<1x16xf32> to vector<16xf32>
        %parallel_loop3A_416 = arith.constant 7 : i32
        %parallel_loop3A_417 = arith.index_cast %parallel_loop3A_416 : i32 to index
        %parallel_loop3A_418 = arith.index_cast %parallel_loop3A_212 : i32 to index
        %parallel_loop3A_419 = tpu.vector_load %arg8[%parallel_loop3A_417, %parallel_loop3A_418] {strides = array<i32>} : memref<8x2048xf32, #tpu.memory_space<vmem>>, vector<1x16xf32>,
        %parallel_loop3A_420 = vector.shape_cast %parallel_loop3A_419 : vector<1x16xf32> to vector<16xf32>
        %parallel_loop3A_421 = arith.subf %parallel_loop3A_415, %parallel_loop3A_420 : vector<16xf32>
        %parallel_loop3A_422 = math.absf %parallel_loop3A_415 : vector<16xf32>
        %parallel_loop3A_423 = math.absf %parallel_loop3A_420 : vector<16xf32>
        %parallel_loop3A_424 = arith.minimumf %parallel_loop3A_422, %parallel_loop3A_423 : vector<16xf32>
        %parallel_loop3A_425 = arith.constant 0.000000e+00 : f32
        %parallel_loop3A_426 = vector.broadcast %parallel_loop3A_425 : f32 to vector<16xf32>
        %parallel_loop3A_427 = arith.cmpf ogt, %parallel_loop3A_424, %parallel_loop3A_426 : vector<16xf32>
        %parallel_loop3A_428 = arith.constant 1.000000e+00 : f32
        %parallel_loop3A_429 = arith.constant 0.000000e+00 : f32
        %parallel_loop3A_430 = vector.broadcast %parallel_loop3A_428 : f32 to vector<16xf32>
        %parallel_loop3A_431 = vector.broadcast %parallel_loop3A_429 : f32 to vector<16xf32>
        %parallel_loop3A_432 = arith.select %parallel_loop3A_427, %parallel_loop3A_430, %parallel_loop3A_431 : vector<16xi1>, vector<16xf32>
        %parallel_loop3A_433 = arith.mulf %parallel_loop3A_421, %parallel_loop3A_432 : vector<16xf32>
        %parallel_loop3A_434 = arith.mulf %parallel_loop3A_433, %parallel_loop3A_433 : vector<16xf32>
        %parallel_loop3A_435 = arith.addf %parallel_loop3A_227, %parallel_loop3A_434 : vector<16xf32>
        %parallel_loop3A_436 = arith.addf %parallel_loop3A_228, %parallel_loop3A_432 : vector<16xf32>
        scf.yield %parallel_loop3A_253, %parallel_loop3A_254, %parallel_loop3A_279, %parallel_loop3A_280, %parallel_loop3A_305, %parallel_loop3A_306, %parallel_loop3A_331, %parallel_loop3A_332, %parallel_loop3A_357, %parallel_loop3A_358, %parallel_loop3A_383, %parallel_loop3A_384, %parallel_loop3A_409, %parallel_loop3A_410, %parallel_loop3A_435, %parallel_loop3A_436 : vector<16xf32>, vector<16xf32>, vector<16xf32>, vector<16xf32>, vector<16xf32>, vector<16xf32>, vector<16xf32>, vector<16xf32>, vector<16xf32>, vector<16xf32>, vector<16xf32>, vector<16xf32>, vector<16xf32>, vector<16xf32>, vector<16xf32>, vector<16xf32>
      } {sc.loop_unroll_factor = 1 : i64, sc.parallel_access}
      %add3A_167 = arith.addf %parallel_loop3A_166#0, %parallel_loop3A_166#2 : vector<16xf32>
      %add3A_168 = arith.addf %add3A_167, %parallel_loop3A_166#4 : vector<16xf32>
      %add3A_169 = arith.addf %add3A_168, %parallel_loop3A_166#6 : vector<16xf32>
      %add3A_170 = arith.addf %add3A_169, %parallel_loop3A_166#8 : vector<16xf32>
      %add3A_171 = arith.addf %add3A_170, %parallel_loop3A_166#10 : vector<16xf32>
      %add3A_172 = arith.addf %add3A_171, %parallel_loop3A_166#12 : vector<16xf32>
      %add3A_173 = arith.addf %add3A_172, %parallel_loop3A_166#14 : vector<16xf32>
      %add3A_174 = arith.addf %parallel_loop3A_166#1, %parallel_loop3A_166#3 : vector<16xf32>
      %add3A_175 = arith.addf %add3A_174, %parallel_loop3A_166#5 : vector<16xf32>
      %add3A_176 = arith.addf %add3A_175, %parallel_loop3A_166#7 : vector<16xf32>
      %add3A_177 = arith.addf %add3A_176, %parallel_loop3A_166#9 : vector<16xf32>
      %add3A_178 = arith.addf %add3A_177, %parallel_loop3A_166#11 : vector<16xf32>
      %add3A_179 = arith.addf %add3A_178, %parallel_loop3A_166#13 : vector<16xf32>
      %add3A_180 = arith.addf %add3A_179, %parallel_loop3A_166#15 : vector<16xf32>
      %get3A_181 = arith.constant 0 : i32
      %get3A_182 = arith.index_cast %get3A_181 : i32 to index
      %get3A_183 = arith.constant 0 : index
      %get3A_184 = tpu.vector_load %arg9[%get3A_182, %get3A_183] {strides = array<i32>} : memref<2x16xf32, #tpu.memory_space<vmem>>, vector<1x16xf32>,
      %get3A_185 = vector.shape_cast %get3A_184 : vector<1x16xf32> to vector<16xf32>
      %add3A_186 = arith.addf %get3A_185, %add3A_173 : vector<16xf32>
      %swap3A_187 = arith.constant 0 : i32
      %swap3A_188 = arith.index_cast %swap3A_187 : i32 to index
      %swap3A_189 = arith.constant 0 : index
      %swap3A_190 = tpu.vector_load %arg9[%swap3A_188, %swap3A_189] {strides = array<i32>} : memref<2x16xf32, #tpu.memory_space<vmem>>, vector<1x16xf32>,
      %swap3A_191 = vector.shape_cast %swap3A_190 : vector<1x16xf32> to vector<16xf32>
      %swap3A_192 = vector.shape_cast %add3A_186 : vector<16xf32> to vector<1x16xf32>
      tpu.vector_store %arg9[%swap3A_188, %swap3A_189], %swap3A_192 {strides = array<i32>} : memref<2x16xf32, #tpu.memory_space<vmem>>, vector<1x16xf32>,
      %get3A_193 = arith.constant 1 : i32
      %get3A_194 = arith.index_cast %get3A_193 : i32 to index
      %get3A_195 = arith.constant 0 : index
      %get3A_196 = tpu.vector_load %arg9[%get3A_194, %get3A_195] {strides = array<i32>} : memref<2x16xf32, #tpu.memory_space<vmem>>, vector<1x16xf32>,
      %get3A_197 = vector.shape_cast %get3A_196 : vector<1x16xf32> to vector<16xf32>
      %add3A_198 = arith.addf %get3A_197, %add3A_180 : vector<16xf32>
      %swap3A_199 = arith.constant 1 : i32
      %swap3A_200 = arith.index_cast %swap3A_199 : i32 to index
      %swap3A_201 = arith.constant 0 : index
      %swap3A_202 = tpu.vector_load %arg9[%swap3A_200, %swap3A_201] {strides = array<i32>} : memref<2x16xf32, #tpu.memory_space<vmem>>, vector<1x16xf32>,
      %swap3A_203 = vector.shape_cast %swap3A_202 : vector<1x16xf32> to vector<16xf32>
      %swap3A_204 = vector.shape_cast %add3A_198 : vector<16xf32> to vector<1x16xf32>
      tpu.vector_store %arg9[%swap3A_200, %swap3A_201], %swap3A_204 {strides = array<i32>} : memref<2x16xf32, #tpu.memory_space<vmem>>, vector<1x16xf32>,
      %add3A_205 = arith.constant 2 : i32
      %add3A_206 = arith.addi %add3A_144, %add3A_205 : i32
      %lt3A_207 = arith.constant 4 : i32
      %lt3A_208 = arith.cmpi slt, %add3A_206, %lt3A_207 : i32
      %convert_element_type3A_209 = arith.extui %lt3A_208 : i1 to i32
      %cond3A_210 = arith.constant 0 : i32
      %cond3A_211 = arith.cmpi ne, %convert_element_type3A_209, %cond3A_210 : i32
      scf.if %cond3A_211 {
        %add3A_212 = arith.constant 2 : i32
        %add3A_213 = arith.addi %add3A_144, %add3A_212 : i32
        %mul3A_214 = arith.constant 8 : i32
        %mul3A_215 = arith.muli %add3A_213, %mul3A_214 : i32
        %add3A_216 = arith.addi %mul3A_32, %mul3A_215 : i32
        %dma_start3A_217 = arith.constant 0 : i32
        %dma_start3A_218 = tpu.memref_slice %arg2[%select_n3A, %add3A_216, %dma_start3A_217] : memref<2x8192x2048xf32, #tpu.memory_space<hbm>> -> memref<1x8x2048xf32, #tpu.memory_space<hbm>>
        %dma_start3A_219 = tpu.memref_squeeze %dma_start3A_218 : memref<1x8x2048xf32, #tpu.memory_space<hbm>> -> memref<8x2048xf32, #tpu.memory_space<hbm>>
        %dma_start3A_220 = arith.constant 0 : i32
        %dma_start3A_221 = tpu.memref_slice %arg2[%select_n3A, %add3A_216, %dma_start3A_220] : memref<2x8192x2048xf32, #tpu.memory_space<hbm>> -> memref<1x8x2048xf32, #tpu.memory_space<hbm>>
        %dma_start3A_222 = tpu.memref_squeeze %dma_start3A_221 : memref<1x8x2048xf32, #tpu.memory_space<hbm>> -> memref<8x2048xf32, #tpu.memory_space<hbm>>
        tpu.enqueue_dma source(%dma_start3A_222 : memref<8x2048xf32, #tpu.memory_space<hbm>>) target(%arg6 : memref<8x2048xf32, #tpu.memory_space<vmem>>) target_semaphore(%arg11 : memref<!tpu.dma_semaphore, #tpu.memory_space<semaphore_mem>>)
        %dma_start3A_223 = arith.constant 0 : i32
        %dma_start3A_224 = tpu.memref_slice %arg3[%select_n3A, %add3A_216, %dma_start3A_223] : memref<2x8192x2048xf32, #tpu.memory_space<hbm>> -> memref<1x8x2048xf32, #tpu.memory_space<hbm>>
        %dma_start3A_225 = tpu.memref_squeeze %dma_start3A_224 : memref<1x8x2048xf32, #tpu.memory_space<hbm>> -> memref<8x2048xf32, #tpu.memory_space<hbm>>
        %dma_start3A_226 = arith.constant 0 : i32
        %dma_start3A_227 = tpu.memref_slice %arg3[%select_n3A, %add3A_216, %dma_start3A_226] : memref<2x8192x2048xf32, #tpu.memory_space<hbm>> -> memref<1x8x2048xf32, #tpu.memory_space<hbm>>
        %dma_start3A_228 = tpu.memref_squeeze %dma_start3A_227 : memref<1x8x2048xf32, #tpu.memory_space<hbm>> -> memref<8x2048xf32, #tpu.memory_space<hbm>>
        tpu.enqueue_dma source(%dma_start3A_228 : memref<8x2048xf32, #tpu.memory_space<hbm>>) target(%arg8 : memref<8x2048xf32, #tpu.memory_space<vmem>>) target_semaphore(%arg11 : memref<!tpu.dma_semaphore, #tpu.memory_space<semaphore_mem>>)
      } else {
      }
    }
    %scan3A_70 = arith.constant 2 : i32
    %run_scoped3A = arith.constant 0 : i32
    %run_scoped3A_71 = arith.constant 0 : i32
    "tpu.region"() ({
      %run_scoped3A_74 = tpu.sem_alloc : memref<!tpu.dma_semaphore, #tpu.memory_space<semaphore_mem>>
      %dma_start3A_75 = arith.constant 0 : i32
      %dma_start3A_76 = tpu.memref_slice %arg9[%run_scoped3A, %dma_start3A_75] : memref<2x16xf32, #tpu.memory_space<vmem>> -> memref<1x16xf32, #tpu.memory_space<vmem>>
      %dma_start3A_77 = tpu.memref_squeeze %dma_start3A_76 : memref<1x16xf32, #tpu.memory_space<vmem>> -> memref<16xf32, #tpu.memory_space<vmem>>
      %dma_start3A_78 = arith.constant 0 : i32
      %dma_start3A_79 = tpu.memref_slice %arg4[%run_scoped3A_71, %add3A, %dma_start3A_78] : memref<2x32x16xf32, #tpu.memory_space<hbm>> -> memref<1x1x16xf32, #tpu.memory_space<hbm>>
      %dma_start3A_80 = tpu.memref_squeeze %dma_start3A_79 : memref<1x1x16xf32, #tpu.memory_space<hbm>> -> memref<16xf32, #tpu.memory_space<hbm>>
      %dma_start3A_81 = arith.constant 0 : i32
      %dma_start3A_82 = tpu.memref_slice %arg4[%run_scoped3A_71, %add3A, %dma_start3A_81] : memref<2x32x16xf32, #tpu.memory_space<hbm>> -> memref<1x1x16xf32, #tpu.memory_space<hbm>>
      %dma_start3A_83 = tpu.memref_squeeze %dma_start3A_82 : memref<1x1x16xf32, #tpu.memory_space<hbm>> -> memref<16xf32, #tpu.memory_space<hbm>>
      %dma_start3A_84 = arith.constant 0 : i32
      %dma_start3A_85 = tpu.memref_slice %arg9[%run_scoped3A, %dma_start3A_84] : memref<2x16xf32, #tpu.memory_space<vmem>> -> memref<1x16xf32, #tpu.memory_space<vmem>>
      %dma_start3A_86 = tpu.memref_squeeze %dma_start3A_85 : memref<1x16xf32, #tpu.memory_space<vmem>> -> memref<16xf32, #tpu.memory_space<vmem>>
      tpu.enqueue_dma source(%dma_start3A_86 : memref<16xf32, #tpu.memory_space<vmem>>) target(%dma_start3A_83 : memref<16xf32, #tpu.memory_space<hbm>>) target_semaphore(%run_scoped3A_74 : memref<!tpu.dma_semaphore, #tpu.memory_space<semaphore_mem>>)
      %dma_wait3A = arith.constant 0 : i32
      %dma_wait3A_87 = tpu.memref_slice %arg9[%run_scoped3A, %dma_wait3A] : memref<2x16xf32, #tpu.memory_space<vmem>> -> memref<1x16xf32, #tpu.memory_space<vmem>>
      %dma_wait3A_88 = tpu.memref_squeeze %dma_wait3A_87 : memref<1x16xf32, #tpu.memory_space<vmem>> -> memref<16xf32, #tpu.memory_space<vmem>>
      %dma_wait3A_89 = arith.constant 0 : i32
      %dma_wait3A_90 = tpu.memref_slice %arg4[%run_scoped3A_71, %add3A, %dma_wait3A_89] : memref<2x32x16xf32, #tpu.memory_space<hbm>> -> memref<1x1x16xf32, #tpu.memory_space<hbm>>
      %dma_wait3A_91 = tpu.memref_squeeze %dma_wait3A_90 : memref<1x1x16xf32, #tpu.memory_space<hbm>> -> memref<16xf32, #tpu.memory_space<hbm>>
      %dma_wait3A_92 = arith.constant 0 : i32
      %dma_wait3A_93 = tpu.memref_slice %arg4[%run_scoped3A_71, %add3A, %dma_wait3A_92] : memref<2x32x16xf32, #tpu.memory_space<hbm>> -> memref<1x1x16xf32, #tpu.memory_space<hbm>>
      %dma_wait3A_94 = tpu.memref_squeeze %dma_wait3A_93 : memref<1x1x16xf32, #tpu.memory_space<hbm>> -> memref<16xf32, #tpu.memory_space<hbm>>
      %dma_wait3A_95 = arith.constant 0 : i32
      %dma_wait3A_96 = tpu.memref_slice %arg9[%run_scoped3A, %dma_wait3A_95] : memref<2x16xf32, #tpu.memory_space<vmem>> -> memref<1x16xf32, #tpu.memory_space<vmem>>
      %dma_wait3A_97 = tpu.memref_squeeze %dma_wait3A_96 : memref<1x16xf32, #tpu.memory_space<vmem>> -> memref<16xf32, #tpu.memory_space<vmem>>
      tpu.wait_dma2 semaphore(%run_scoped3A_74 : memref<!tpu.dma_semaphore, #tpu.memory_space<semaphore_mem>>) src(%dma_wait3A_97 : memref<16xf32, #tpu.memory_space<vmem>>) dst(%dma_wait3A_94 : memref<16xf32, #tpu.memory_space<hbm>>)
      tpu.yield
    }) : () -> ()
    %run_scoped3A_72 = arith.constant 1 : i32
    %run_scoped3A_73 = arith.constant 1 : i32
    "tpu.region"() ({
      %run_scoped3A_74 = tpu.sem_alloc : memref<!tpu.dma_semaphore, #tpu.memory_space<semaphore_mem>>
      %dma_start3A_75 = arith.constant 0 : i32
      %dma_start3A_76 = tpu.memref_slice %arg9[%run_scoped3A_72, %dma_start3A_75] : memref<2x16xf32, #tpu.memory_space<vmem>> -> memref<1x16xf32, #tpu.memory_space<vmem>>
      %dma_start3A_77 = tpu.memref_squeeze %dma_start3A_76 : memref<1x16xf32, #tpu.memory_space<vmem>> -> memref<16xf32, #tpu.memory_space<vmem>>
      %dma_start3A_78 = arith.constant 0 : i32
      %dma_start3A_79 = tpu.memref_slice %arg4[%run_scoped3A_73, %add3A, %dma_start3A_78] : memref<2x32x16xf32, #tpu.memory_space<hbm>> -> memref<1x1x16xf32, #tpu.memory_space<hbm>>
      %dma_start3A_80 = tpu.memref_squeeze %dma_start3A_79 : memref<1x1x16xf32, #tpu.memory_space<hbm>> -> memref<16xf32, #tpu.memory_space<hbm>>
      %dma_start3A_81 = arith.constant 0 : i32
      %dma_start3A_82 = tpu.memref_slice %arg4[%run_scoped3A_73, %add3A, %dma_start3A_81] : memref<2x32x16xf32, #tpu.memory_space<hbm>> -> memref<1x1x16xf32, #tpu.memory_space<hbm>>
      %dma_start3A_83 = tpu.memref_squeeze %dma_start3A_82 : memref<1x1x16xf32, #tpu.memory_space<hbm>> -> memref<16xf32, #tpu.memory_space<hbm>>
      %dma_start3A_84 = arith.constant 0 : i32
      %dma_start3A_85 = tpu.memref_slice %arg9[%run_scoped3A_72, %dma_start3A_84] : memref<2x16xf32, #tpu.memory_space<vmem>> -> memref<1x16xf32, #tpu.memory_space<vmem>>
      %dma_start3A_86 = tpu.memref_squeeze %dma_start3A_85 : memref<1x16xf32, #tpu.memory_space<vmem>> -> memref<16xf32, #tpu.memory_space<vmem>>
      tpu.enqueue_dma source(%dma_start3A_86 : memref<16xf32, #tpu.memory_space<vmem>>) target(%dma_start3A_83 : memref<16xf32, #tpu.memory_space<hbm>>) target_semaphore(%run_scoped3A_74 : memref<!tpu.dma_semaphore, #tpu.memory_space<semaphore_mem>>)
      %dma_wait3A = arith.constant 0 : i32
      %dma_wait3A_87 = tpu.memref_slice %arg9[%run_scoped3A_72, %dma_wait3A] : memref<2x16xf32, #tpu.memory_space<vmem>> -> memref<1x16xf32, #tpu.memory_space<vmem>>
      %dma_wait3A_88 = tpu.memref_squeeze %dma_wait3A_87 : memref<1x16xf32, #tpu.memory_space<vmem>> -> memref<16xf32, #tpu.memory_space<vmem>>
      %dma_wait3A_89 = arith.constant 0 : i32
      %dma_wait3A_90 = tpu.memref_slice %arg4[%run_scoped3A_73, %add3A, %dma_wait3A_89] : memref<2x32x16xf32, #tpu.memory_space<hbm>> -> memref<1x1x16xf32, #tpu.memory_space<hbm>>
      %dma_wait3A_91 = tpu.memref_squeeze %dma_wait3A_90 : memref<1x1x16xf32, #tpu.memory_space<hbm>> -> memref<16xf32, #tpu.memory_space<hbm>>
      %dma_wait3A_92 = arith.constant 0 : i32
      %dma_wait3A_93 = tpu.memref_slice %arg4[%run_scoped3A_73, %add3A, %dma_wait3A_92] : memref<2x32x16xf32, #tpu.memory_space<hbm>> -> memref<1x1x16xf32, #tpu.memory_space<hbm>>
      %dma_wait3A_94 = tpu.memref_squeeze %dma_wait3A_93 : memref<1x1x16xf32, #tpu.memory_space<hbm>> -> memref<16xf32, #tpu.memory_space<hbm>>
      %dma_wait3A_95 = arith.constant 0 : i32
      %dma_wait3A_96 = tpu.memref_slice %arg9[%run_scoped3A_72, %dma_wait3A_95] : memref<2x16xf32, #tpu.memory_space<vmem>> -> memref<1x16xf32, #tpu.memory_space<vmem>>
      %dma_wait3A_97 = tpu.memref_squeeze %dma_wait3A_96 : memref<1x16xf32, #tpu.memory_space<vmem>> -> memref<16xf32, #tpu.memory_space<vmem>>
      tpu.wait_dma2 semaphore(%run_scoped3A_74 : memref<!tpu.dma_semaphore, #tpu.memory_space<semaphore_mem>>) src(%dma_wait3A_97 : memref<16xf32, #tpu.memory_space<vmem>>) dst(%dma_wait3A_94 : memref<16xf32, #tpu.memory_space<hbm>>)
      tpu.yield
    }) : () -> ()
    return
  }
}

module attributes {stable_mosaic.version = 14 : i64} {
  func.func @_tc_body(%arg0: i32, %arg1: i32, %arg2: memref<1x512x2048xf32, #tpu.memory_space<vmem>>, %arg3: memref<1x512x2048xf32, #tpu.memory_space<vmem>>, %arg4: memref<2x2048xf32, #tpu.memory_space<vmem>>) attributes {dimension_semantics = [#tpu.dimension_semantics<arbitrary>, #tpu.dimension_semantics<arbitrary>], iteration_bounds = array<i64: 2, 15>, scalar_prefetch = 0 : i64, scratch_operands = 0 : i64, tpu.core_type = #tpu.core_type<tc>, window_params = [{transform_indices = @transform_0, window_bounds = array<i64: 1, 512, 2048>}, {transform_indices = @transform_1, window_bounds = array<i64: 1, 512, 2048>}, {pipeline_mode = #tpu.pipeline_mode<synchronous>, transform_indices = @transform_2, window_bounds = array<i64: 2, 2048>}]} {
    %get3A = arith.constant 0 : index
    %get3A_0 = arith.constant 0 : index
    %get3A_1 = arith.constant 0 : index
    %get3A_2 = vector.load %arg2[%get3A, %get3A_0, %get3A_1] : memref<1x512x2048xf32, #tpu.memory_space<vmem>>, vector<1x512x2048xf32>
    %get3A_3 = vector.shape_cast %get3A_2 : vector<1x512x2048xf32> to vector<512x2048xf32>
    %get3A_4 = arith.constant 0 : index
    %get3A_5 = arith.constant 0 : index
    %get3A_6 = arith.constant 0 : index
    %get3A_7 = vector.load %arg3[%get3A_4, %get3A_5, %get3A_6] : memref<1x512x2048xf32, #tpu.memory_space<vmem>>, vector<1x512x2048xf32>
    %get3A_8 = vector.shape_cast %get3A_7 : vector<1x512x2048xf32> to vector<512x2048xf32>
    %sub3A = arith.subf %get3A_3, %get3A_8 : vector<512x2048xf32>
    %ne3A = arith.constant 0.000000e+00 : f32
    %ne3A_9 = vector.broadcast %ne3A : f32 to vector<512x2048xf32>
    %ne3A_10 = arith.cmpf one, %get3A_3, %ne3A_9 : vector<512x2048xf32>
    %ne3A_11 = arith.constant 0.000000e+00 : f32
    %ne3A_12 = vector.broadcast %ne3A_11 : f32 to vector<512x2048xf32>
    %ne3A_13 = arith.cmpf one, %get3A_8, %ne3A_12 : vector<512x2048xf32>
    %and3A = arith.andi %ne3A_10, %ne3A_13 : vector<512x2048xi1>
    %jit3A = arith.constant 1.000000e+00 : f32
    %jit3A_14 = arith.constant 0.000000e+00 : f32
    %broadcast_in_dim3A = vector.broadcast %jit3A : f32 to vector<512x2048xf32>
    %broadcast_in_dim3A_15 = vector.broadcast %jit3A_14 : f32 to vector<512x2048xf32>
    %select_n3A = arith.select %and3A, %broadcast_in_dim3A, %broadcast_in_dim3A_15 : vector<512x2048xi1>, vector<512x2048xf32>
    %mul3A = arith.mulf %select_n3A, %sub3A : vector<512x2048xf32>
    %mul3A_16 = arith.mulf %mul3A, %sub3A : vector<512x2048xf32>
    %reduce_sum3A = arith.constant dense<0.000000e+00> : vector<2048xf32>
    %reduce_sum3A_17 = vector.multi_reduction <add>, %mul3A_16, %reduce_sum3A [0] : vector<512x2048xf32> to vector<2048xf32>
    %broadcast_in_dim3A_18 = vector.shape_cast %reduce_sum3A_17 : vector<2048xf32> to vector<1x2048xf32>
    %reduce_sum3A_19 = arith.constant dense<0.000000e+00> : vector<2048xf32>
    %reduce_sum3A_20 = vector.multi_reduction <add>, %select_n3A, %reduce_sum3A_19 [0] : vector<512x2048xf32> to vector<2048xf32>
    %broadcast_in_dim3A_21 = vector.shape_cast %reduce_sum3A_20 : vector<2048xf32> to vector<1x2048xf32>
    %eq3A = arith.constant 0 : i32
    %eq3A_22 = arith.cmpi eq, %arg0, %eq3A : i32
    %eq3A_23 = arith.constant 0 : i32
    %eq3A_24 = arith.cmpi eq, %arg1, %eq3A_23 : i32
    %and3A_25 = arith.andi %eq3A_22, %eq3A_24 : i1
    %convert_element_type3A = arith.extui %and3A_25 : i1 to i32
    %cond3A = arith.constant 0 : i32
    %cond3A_26 = arith.cmpi ne, %convert_element_type3A, %cond3A : i32
    scf.if %cond3A_26 {
      %broadcast_in_dim3A_32 = arith.constant 0.000000e+00 : f32
      %broadcast_in_dim3A_33 = vector.broadcast %broadcast_in_dim3A_32 : f32 to vector<2x2048xf32>
      %swap3A_34 = arith.constant 0 : index
      %swap3A_35 = arith.constant 0 : index
      %swap3A_36 = vector.load %arg4[%swap3A_34, %swap3A_35] : memref<2x2048xf32, #tpu.memory_space<vmem>>, vector<2x2048xf32>
      tpu.vector_store %arg4[%swap3A_34, %swap3A_35], %broadcast_in_dim3A_33 {strides = array<i32>} : memref<2x2048xf32, #tpu.memory_space<vmem>>, vector<2x2048xf32>,
    } else {
    }
    %get3A_27 = arith.constant 0 : index
    %get3A_28 = arith.constant 0 : index
    %get3A_29 = vector.load %arg4[%get3A_27, %get3A_28] : memref<2x2048xf32, #tpu.memory_space<vmem>>, vector<2x2048xf32>
    %concatenate3A = tpu.concatenate %broadcast_in_dim3A_18, %broadcast_in_dim3A_21 in 0 : vector<1x2048xf32>, vector<1x2048xf32> -> vector<2x2048xf32>
    %add3A = arith.addf %get3A_29, %concatenate3A : vector<2x2048xf32>
    %swap3A = arith.constant 0 : index
    %swap3A_30 = arith.constant 0 : index
    %swap3A_31 = vector.load %arg4[%swap3A, %swap3A_30] : memref<2x2048xf32, #tpu.memory_space<vmem>>, vector<2x2048xf32>
    tpu.vector_store %arg4[%swap3A, %swap3A_30], %add3A {strides = array<i32>} : memref<2x2048xf32, #tpu.memory_space<vmem>>, vector<2x2048xf32>,
    return
  }
  func.func @transform_0(%arg0: i32, %arg1: i32) -> (i32, i32, i32) {
    %add3A = arith.constant 1 : i32
    %add3A_0 = arith.addi %arg1, %add3A : i32
    %c0_i32 = arith.constant 0 : i32
    %c0_i32_1 = arith.constant 0 : i32
    return %arg0, %add3A_0, %c0_i32 : i32, i32, i32
  }
  func.func @transform_1(%arg0: i32, %arg1: i32) -> (i32, i32, i32) {
    %add3A = arith.constant 1 : i32
    %add3A_0 = arith.addi %arg1, %add3A : i32
    %c0_i32 = arith.constant 0 : i32
    %c0_i32_1 = arith.constant 0 : i32
    return %arg0, %add3A_0, %c0_i32 : i32, i32, i32
  }
  func.func @transform_2(%arg0: i32, %arg1: i32) -> (i32, i32) {
    %c0_i32 = arith.constant 0 : i32
    %c0_i32_0 = arith.constant 0 : i32
    %c0_i32_1 = arith.constant 0 : i32
    return %c0_i32, %c0_i32_0 : i32, i32
  }
}

</mosaic_0001>

<sc_bundles>
// kernel: kernel.4.cloned.1.call-start
scs
__scs_entry_jumppad:
0x0: {  	(pc) =	sbr.rel $0x88, $3  }
0x1: {  	(tag) =	ssettag $0x0;
	lr =	simm.s32 $0x1  }
0x2: {  	[smem:$0x3F9F] =	sst lr;
	_ =	strace $0xD0000000  }
0x3: {  	_ = 	snop  }
0x4: {  	_ = 	snop  }
0x5: {  	_ = 	snop  }
0x6: {  	_ = 	snop  }
0x7: {  	_ = 	snop  }
__scs_overlays_trampoline_lowered:
0x8: {  	[smem:$0x3FAE] =	sst s0  }
0x9: {  	[smem:$0x3FAF] =	sst s1  }
0xa: {  	[smem:$0x3FB0] =	sst s2  }
0xb: {  	[smem:$0x3FB1] =	sst s3  }
0xc: {  	[smem:$0x3FB2] =	sst s4  }
0xd: {  	[smem:$0x3FB3] =	sst s5  }
0xe: {  	[smem:$0x3FB4] =	sst s6  }
0xf: {  	[smem:$0x3FB5] =	sst s7  }
0x10: {  	[smem:$0x3FB6] =	sst s8  }
0x11: {  	[smem:$0x3FB7] =	sst s9;
	s0 =	simm.s32 @!p0 $0x0  }
0x12: {  	s1 =	sld [smem:$0x3F9D];
	s0 =	simm.s32 @p0 $0x1  }
0x13: {  	[smem:$0x3FB8] =	sst s0;
	s0 =	simm.s32 @!p1 $0x0  }
0x14: {  	s2 =	sld [smem:$0x3F9C];
	s0 =	simm.s32 @p1 $0x1  }
0x15: {  	[smem:$0x3FB9] =	sst s0;
	s0 =	simm.s32 @!p2 $0x0  }
0x16: {  	s3 =	sld [smem:$0x3FDB];
	s0 =	simm.s32 @p2 $0x1  }
0x17: {  	s4 =	simm.s32 $0x1BF5;
	[smem:$0x3FBB] =	sst s0  }
0x18: {  	s0 =	sld [smem:$0x3F9E];
	_ =	swait.ge [sflag:s4], $0x0  }
0x19: {  	s7 =	sld [smem:$0x3F9F]  }
0x1a: {  	s8 =	sadd.s32 $0xFFFFE003, lr  }
0x1b: {  	s9 =	sadd.s32 $0xFFFFFEF7, lr;
	s5 =	simm.s32 $0xFFFFFFFF;
	p2 =	slt.u32 s8, $0xFFFFF086  }
0x1c: {  	p1 =	slt.u32 s9, $0xF7A;
	s5 =	simm.s32 @!p2 $0x0  }
0x1d: {  	s5 =	simm.s32 @p1 $0x1;
	p0 =	seq.s32 s7, s2  }
0x1e: {  	s7 =	smul.u32 @!p0 $0xF7A, s2;
	p2 =	seq.s32 @!p0 s5, $0x0  }
0x1f: {  	s9 =	smul.u32 $0xF7A, s1;
	s8 =	simm.s32 @!p0 $0x1BF5;
	p2 =	por !p2, p0  }
0x20: {  	[sflag:s8] =	ssyncset.s32 @!p0 $0xFFFFF086;
	s6 =	sadd.s32 @!p0 s3, s7;
	s7 =	simm.s32 @!p0 $0x108  }
0x21: {  	s3 =	sadd.s32 s3, s9;
	s6 =	sadd.s32 @!p0 $0x88, s6;
	s7 =	simm.s32 @p2 $0x1082  }
0x22: {  	[simem:s7], [sflag:s8] =	dma.local @!p0 [hbm:s6], $0xF7A  }
0x23: {  	s9 =	sor.u32 $0xD0000000, s2;
	s6 =	simm.s32 $0x108;
	_ =	swait.ge @!p0 [sflag:s8], $0x0  }
0x24: {  	s3 =	sadd.s32 $0x88, s3;
	s6 =	simm.s32 @!p1 $0x1082;
	[sflag:s4] =	ssyncset.s32 $0xFFFFF086  }
0x25: {  	[simem:s6], [sflag:s4] =	dma.local [hbm:s3], $0xF7A  }
0x26: {  	[smem:$0x3F9F] =	sst s1;
	(tag) =	ssettag s2;
	_ =	strace s9  }
0x27: {  	s1 =	sld [smem:$0x3FAF]  }
0x28: {  	s2 =	sld [smem:$0x3FB0]  }
0x29: {  	s4 =	sld [smem:$0x3FB2]  }
0x2a: {  	p0 =	seq.s32 s5, $0x0;
	s5 =	sld [smem:$0x3FB3]  }
0x2b: {  	s6 =	sld [smem:$0x3FB4]  }
0x2c: {  	s7 =	sld [smem:$0x3FB5]  }
0x2d: {  	s3 =	simm.s32 $0x108;
	s8 =	sld [smem:$0x3FB6]  }
0x2e: {  	s3 =	simm.s32 @!p0 $0x1082;
	s9 =	sld [smem:$0x3FB7]  }
0x2f: {  	lr =	sadd.s32 s0, s3;
	s0 =	sld [smem:$0x3FAE]  }
0x30: {  	s3 =	sld [smem:$0x3FB1]  }
0x31: {  	[smem:$0x3FBA] =	sst s10  }
0x32: {  	s10 =	sld [smem:$0x3FB8];
	_ =	sdelay $0x3  }
0x33: {  	p0 =	seq.s32 s10, $0x1;
	s10 =	sld [smem:$0x3FBA];
	_ =	sdelay $0x3  }
0x34: {  	[smem:$0x3FBA] =	sst s10  }
0x35: {  	s10 =	sld [smem:$0x3FB9];
	_ =	sdelay $0x3  }
0x36: {  	p1 =	seq.s32 s10, $0x1;
	s10 =	sld [smem:$0x3FBA];
	_ =	sdelay $0x3  }
0x37: {  	[smem:$0x3FBA] =	sst s10  }
0x38: {  	s10 =	sld [smem:$0x3FBB]  }
0x39: {  	_ = 	snop;
	(pc) =	sbr.ind lr, $3  }
0x3a: {  	_ = 	snop  }
0x3b: {  	_ = 	snop  }
0x3c: {  	p2 =	seq.s32 s10, $0x1;
	s10 =	sld [smem:$0x3FBA]  }
0x3d: {  	_ =	shalt  }
0x3e: {  	_ =	shalt  }
0x3f: {  	_ =	shalt  }
0x40: {  	_ =	shalt  }
0x41: {  	_ =	shalt  }
0x42: {  	_ =	shalt  }
0x43: {  	_ =	shalt  }
0x44: {  	_ =	shalt  }
0x45: {  	_ =	shalt  }
0x46: {  	_ =	shalt  }
0x47: {  	_ =	shalt  }
0x48: {  	_ =	shalt  }
0x49: {  	_ =	shalt  }
0x4a: {  	_ =	shalt  }
0x4b: {  	_ =	shalt  }
0x4c: {  	_ =	shalt  }
0x4d: {  	_ =	shalt  }
0x4e: {  	_ =	shalt  }
0x4f: {  	_ =	shalt  }
0x50: {  	_ =	shalt  }
0x51: {  	_ =	shalt  }
0x52: {  	_ =	shalt  }
0x53: {  	_ =	shalt  }
0x54: {  	_ =	shalt  }
0x55: {  	_ =	shalt  }
0x56: {  	_ =	shalt  }
0x57: {  	_ =	shalt  }
0x58: {  	_ =	shalt  }
0x59: {  	_ =	shalt  }
0x5a: {  	_ =	shalt  }
0x5b: {  	_ =	shalt  }
0x5c: {  	_ =	shalt  }
0x5d: {  	_ =	shalt  }
0x5e: {  	_ =	shalt  }
0x5f: {  	_ =	shalt  }
0x60: {  	_ =	shalt  }
0x61: {  	_ =	shalt  }
0x62: {  	_ =	shalt  }
0x63: {  	_ =	shalt  }
0x64: {  	_ =	shalt  }
0x65: {  	_ =	shalt  }
0x66: {  	_ =	shalt  }
0x67: {  	_ =	shalt  }
0x68: {  	_ =	shalt  }
0x69: {  	_ =	shalt  }
0x6a: {  	_ =	shalt  }
0x6b: {  	_ =	shalt  }
0x6c: {  	_ =	shalt  }
0x6d: {  	_ =	shalt  }
0x6e: {  	_ =	shalt  }
0x6f: {  	_ =	shalt  }
0x70: {  	_ =	shalt  }
0x71: {  	_ =	shalt  }
0x72: {  	_ =	shalt  }
0x73: {  	_ =	shalt  }
0x74: {  	_ =	shalt  }
0x75: {  	_ =	shalt  }
0x76: {  	_ =	shalt  }
0x77: {  	_ =	shalt  }
0x78: {  	_ =	shalt  }
0x79: {  	_ =	shalt  }
0x7a: {  	_ =	shalt  }
0x7b: {  	_ =	shalt  }
0x7c: {  	_ =	shalt  }
0x7d: {  	_ =	shalt  }
0x7e: {  	_ =	shalt  }
0x7f: {  	_ =	shalt  }
0x80: {  	_ =	shalt  }
0x81: {  	_ =	shalt  }
0x82: {  	_ =	shalt  }
0x83: {  	_ =	shalt  }
0x84: {  	_ =	shalt  }
0x85: {  	_ =	shalt  }
0x86: {  	_ =	shalt  }
0x87: {  	_ =	shalt  }
.Lfunc_end0:
.L_simem_size_0:
called_computation_lowered:
.L_overlay_start_0:
0x88: {  	s2 =	sld [smem:$0x3FD9]  }
0x89: {  	s3 =	sld [smem:$0x3FFE];
	_ =	sdelay $0x1  }
0x8a: {  	s1 =	srdreg.scid  }
0x8b: {  	s0 =	sand.u32 $0x1, s1  }
0x8c: {  	s17 =	sshll.u32 s0, $0xA;
	s2 =	sadd.s32 s3, s2  }
0x8d: {  	s2 =	sadd.s32 s2, s17  }
0x8e: {  	[smem:$0x3FC6] =	sst s2  }
0x8f: {  	_ = 	snop  }
0x90: {  	s2 =	sld [smem:$0x3FC9]  }
0x91: {  	s18 =	sld [smem:$0x3FC8];
	(tm) =	ssettm $0x1  }
0x92: {  	s4 =	sld [smem:$0x3FFB];
	_ =	sdelay $0x3  }
0x93: {  	_ =	strace s4  }
0x94: {  	s4 =	sld [smem:$0x3FFC];
	_ =	sdelay $0x3  }
0x95: {  	_ =	strace s4  }
0x96: {  	s4 =	sld [smem:$0x3FFD];
	_ =	sdelay $0x3  }
0x97: {  	_ =	strace s4  }
0x98: {  	_ =	strace $0x8FFFFFFF  }
0x99: {  	s19 =	sld [smem:$0x3FDB];
	_ =	sdelay $0x1  }
0x9a: {  	s5 =	simm.s32 $_scs_section_size  }
0x9b: {  	s6 =	simm.s32 $_size__tile_overlayer_lowered;
	s7 =	simm.s32 $_tile_overlayer_lowered  }
0x9c: {  	s22 =	simm.s32 $0x1BFF;
	s21 =	sshll.u32 s7, $0x1;
	s4 =	sadd.s32 s5, s19  }
0x9d: {  	s8 =	simm.s32 $0x0;
	s20 =	sshll.u32 s6, $0x1;
	s6 =	sadd.s32 s21, s4  }
0x9e: {  	[timem:s8], [sflag:s22] =	dma.local [hbm:s6], s20  }
0x9f: {  	_ =	swait.ge [sflag:s22], s20  }
0xa0: {  	s5 =	ssub.s32 $0x0, s20;
	[sflag:s22] =	ssyncset.done $0x0  }
0xa1: {  	[sflag:s22] =	ssyncadd.s32 s5;
	_ =	sdelay $0x1  }
0xa2: {  	s23 =	simm.s32 $0x1B8B  }
0xa3: {  	_ =	swait.ge [sflag:s23], $0x1  }
0xa4: {  	[sflag:s23] =	ssyncset.done $0x0  }
0xa5: {  	s25 =	simm.s32 $0x1B8E;
	s24 =	sld [smem:$0x3FFE];
	[sflag:s23] =	ssyncadd.s32 $0xFFFFFFFF  }
0xa6: {  	s26 =	simm.s32 $execute0_lowered;
	[smem:$0x3FD2] =	sst s25  }
0xa7: {  	s6 =	sshll.u32 s26, $0x1;
	_ =	strace $0x80000046;
	[dreg:$0x1] =	wrdreg $0xFFFFFFFF  }
0xa8: {  	s28 =	simm.s32 $_size_execute0_lowered;
	s4 =	sadd.s32 s4, s6;
	[dreg:$0x0] =	wrdreg $0x0  }
0xa9: {  	s6 =	sshll.u32 s28, $0x1;
	[dreg:$0x2] =	wrdreg s4  }
0xaa: {  	[dreg:$0x3] =	wrdreg s6  }
0xab: {  	[dreg:$0x4] =	wrdreg $0xC0  }
0xac: {  	_ =	task [dreg:s8], $0x5FFFF  }
0xad: {  	[dreg:$0x1] =	wrdreg $0xFFFFFFFF  }
0xae: {  	[dreg:$0x0] =	wrdreg $0x60  }
0xaf: {  	[dreg:$0x2] =	wrdreg s2  }
0xb0: {  	[dreg:$0x3] =	wrdreg s18  }
0xb1: {  	[dreg:$0x4] =	wrdreg s24  }
0xb2: {  	[dreg:$0x5] =	wrdreg $0x9  }
0xb3: {  	_ =	task.clear_ibuf [dreg:s8], $0x6FFFF;
	_ =	strace $0x90000046  }
0xb4: {  	s29 =	simm.s32 $0x9;
	_ =	strace $0x80000048  }
0xb5: {  	_ =	swait.ge [sflag:s29], $0x1  }
0xb6: {  	[sflag:s29] =	ssyncadd.s32 $0xFFFFFFFF  }
0xb7: {  	_ =	strace $0x90000048  }
0xb8: {  	_ =	sfence  }
0xb9: {  	s30 =	sld [smem:$0x0];
	_ =	sdelay $0x2  }
0xba: {  	s31 =	sshll.u32 s1, $0xD;
	s1 =	sshrl.u32 s1, $0x2  }
0xbb: {  	s3 =	sand.u32 $0x4000, s31;
	s1 =	sadd.s32 s1, s30  }
0xbc: {  	s0 =	sor.u32 s3, s0;
	s1 =	sshll.u32 s1, $0x11  }
0xbd: {  	s0 =	sor.u32 s1, s0  }
0xbe: {  	s0 =	sadd.s32 $0x8F2B, s0  }
0xbf: {  	[sflag:s0] =	ssyncadd.remote.s32 $0x1  }
0xc0: {  	_ =	sfence.sel $0xFFFF  }
0xc1: {  	[dreg:$0x0] =	wrdreg $0xFFFFFFFF;
	(pc) =	sbr.abs _section_cstart, $3  }
0xc2: {  	[dreg:$0x1] =	wrdreg $0xFFFFFFFF  }
0xc3: {  	_ =	task.clear_ibuf [dreg:s8], $0x2FFFF;
	_ =	strace $0x9FFFFFFF  }
0xc4: {  	(tm) =	ssettm $0x7FFFFFFF  }
0xc5: {  	_ =	shalt  }
tec
execute0_lowered:
.L_overlay_start_1:
0x0: {  	(tag) =	ssettag $0x1  }
0x1: {  	s9 =	rddreg [dreg:$0x0]  }
0x2: {  	s11 =	rddreg [dreg:$0x1];
	s1 =	srdreg.scid  }
0x3: {  	s0 =	stileid.u32;
	s10 =	rddreg [dreg:$0x2]  }
0x4: {  	s2 =	simm.s32 $0x0;
	s16 =	simm.s32 $0xC000;
	s17 =	simm.s32 $0x1  }
0x5: {  	s18 =	simm.s32 $0x2;
	s19 =	simm.s32 $0x10000;
	s20 =	simm.s32 $0x3  }
0x6: {  	s21 =	simm.s32 $0x10080;
	s22 =	simm.s32 $0x0;
	s3 =	sand.u32 $0x1, s1  }
0x7: {  	s4 =	sshll.u32 s0, $0x1;
	s1 =	rddreg [dreg:$0x3];
	s5 =	sshll.u32 s0, $0x12  }
0x8: {  	[smem:$0x7FF] =	sst s2;
	s8 =	sor.u32 s3, s4;
	s3 =	ssub.s32 $0x2, s3  }
0x9: {  	_ =	strace $0x80000047;
	s4 =	sshll.u32 s8, $0xD;
	s6 =	sshrl.u32 s3, $0x1  }
0xa: {  	s15 =	sshll.u32 s8, $0x4;
	s4 =	sor.u32 s5, s4;
	s13 =	ssub.s32 s3, s6  }
0xb: {  	s10 =	sadd.s32 s10, s15;
	s15 =	simm.s32 $0x4000;
	s12 =	sand.u32 $0x21E000, s4  }
.Ltmp0:
0xc: {  	s13 =	smax.u32 s13, $0x1;
	s3 =	sadd.s32 s9, s12;
	(pc) =	sbr.rel .LBB2_1-.Ltmp0, $4  }
0xd: {  	s4 =	sadd.s32 s11, s12;
	s31 =	sor.u32 $0x800, s12;
	s14 =	sor.u32 $0x1000, s12  }
0xe: {  	s12 =	sor.u32 $0x1800, s12;
	s5 =	sadd.s32 s9, s31;
	s6 =	sadd.s32 s11, s31  }
0xf: {  	s7 =	sadd.s32 s9, s14;
	s8 =	sadd.s32 s11, s14;
	s9 =	sadd.s32 s9, s12  }
0x10: {  	v0 =	vimm.f32 $0.0e+00;
	s11 =	sadd.s32 s11, s12;
	s12 =	sadd.s32 $0x200, s10;
	s14 =	simm.s32 $0x8000  }
.LBB2_8:
0x11: {  	[hbm4b:s10+s2] =	stream.linear.scatter [tilespmem:s19], [sflag:$0x3], $0x80, $0x38;
	[tilespmem:$0x10100] =	vst v63  }
0x12: {  	s22 =	sadd.s32 $0x1, s22;
	_ =	swait.ge [sflag:s20], $0x80  }
0x13: {  	p0 =	sne.s32 s22, s13;
	[sflag:s20] =	ssyncset.done $0x0  }
.Ltmp1:
0x14: {  	[sflag:s20] =	ssyncadd.s32 $0xFFFFFF80;
	(pc) =	sbr.rel @!p0 .LBB2_9-.Ltmp1, $4  }
0x15: {  	[hbm4b:s12+s2] =	stream.linear.scatter [tilespmem:s21], [sflag:$0x3], $0x80, $0x38;
	[tilespmem:$0x10100] =	vst v63  }
0x16: {  	_ =	swait.ge [sflag:s20], $0x80  }
0x17: {  	[sflag:s20] =	ssyncset.done $0x0  }
0x18: {  	[sflag:s20] =	ssyncadd.s32 $0xFFFFFF80  }
.LBB2_1:
0x19: {  	[tilespmem:$0x10000] =	vst v0  }
0x1a: {  	[tilespmem:$0x10080] =	vst v0  }
0x1b: {  	[tilespmem:s2], [sflag:$0x1] =	stream.linear.gather [hbm4b:s3+s2], $0x4000, $0x38;
	[tilespmem:$0x10100] =	vst v63  }
0x1c: {  	_ = 	snop  }
0x1d: {  	[tilespmem:s14], [sflag:$0x1] =	stream.linear.gather [hbm4b:s4+s2], $0x4000, $0x38;
	[tilespmem:$0x10100] =	vst v63  }
0x1e: {  	p0 =	por $0x1, $0x1;
	s24 =	smov.u32 s6  }
0x1f: {  	[tilespmem:s15], [sflag:$0x2] =	stream.linear.gather [hbm4b:s5+s2], $0x4000, $0x38;
	[tilespmem:$0x10100] =	vst v63  }
.LBB2_2:
0x20: {  	s23 =	simm.s32 $0x0  }
0x21: {  	[tilespmem:s16], [sflag:$0x2] =	stream.linear.gather [hbm4b:s24+s23], $0x4000, $0x38;
	[tilespmem:$0x10100] =	vst v63  }
0x22: {  	_ =	swait.ge [sflag:s17], $0x4000  }
0x23: {  	[sflag:s17] =	ssyncset.done $0x0  }
0x24: {  	s25 =	sand.u32 $0x7, s23;
	[sflag:s17] =	ssyncadd.s32 $0xFFFFC000  }
0x25: {  	s24 =	simm.s32 $0x0;
	s28 =	sand.u32 $0x3C00, s23;
	_ =	swait.ge [sflag:s17], $0x4000  }
0x26: {  	s25 =	sshll.u32 s25, $0x4;
	s26 =	sand.u32 $0x70, s24;
	[sflag:s17] =	ssyncset.done $0x0  }
0x27: {  	s25 =	sadd.s32 $0x0, s25;
	s26 =	sor.u32 s26, s28;
	[sflag:s17] =	ssyncadd.s32 $0xFFFFC000  }
0x28: {  	s25 =	sor.u32 $0x380, s25;
	v2 =	vld [tilespmem:s26+$0x8300]  }
0x29: {  	v3 =	vld [tilespmem:s25+$0x8000]  }
0x2a: {  	v4 =	vld [tilespmem:s26+$0x80]  }
0x2b: {  	v5 =	vld [tilespmem:s25+$0x0]  }
0x2c: {  	v8 =	vld [tilespmem:s26+$0x8000]  }
0x2d: {  	v6 =	vld [tilespmem:s26+$0x300]  }
0x2e: {  	v7 =	vld [tilespmem:s26+$0x8080]  }
0x2f: {  	v21 =	vld [tilespmem:s26+$0x280]  }
0x30: {  	v9 =	vld [tilespmem:s26+$0x180]  }
0x31: {  	v13 =	vld [tilespmem:s26+$0x8180]  }
0x32: {  	v23 =	vld [tilespmem:s26+$0x8200]  }
0x33: {  	v1 =	vimm.f32 $0.0e+00;
	v19 =	vimm.f32 $0.0e+00;
	v18 =	vimm.f32 $0.0e+00;
	v25 =	vld [tilespmem:s26+$0x8280]  }
0x34: {  	v29 =	vld [tilespmem:s26+$0x0];
	v10 =	vand.u32 $0x7FFFFFFF, v4;
	v17 =	vand.u32 $0x7FFFFFFF, v8;
	v12 =	vand.u32 $0x7FFFFFFF, v2  }
0x35: {  	v11 =	vld [tilespmem:s26+$0x8100];
	v14 =	vsub.f32 v6, v2;
	v2 =	vand.u32 $0x7FFFFFFF, v6;
	v6 =	vand.u32 $0x7FFFFFFF, v7  }
0x36: {  	v15 =	vand.u32 $0x7FFFFFFF, v3;
	v16 =	vand.u32 $0x7FFFFFFF, v5;
	v3 =	vsub.f32 v5, v3  }
0x37: {  	v30 =	vand.u32 $0x7FFFFFFF, v21;
	v24 =	vsub.f32 v4, v7;
	v4 =	vand.u32 $0x7FFFFFFF, v9  }
0x38: {  	v20 =	vld [tilespmem:s26+$0x100];
	v7 =	vand.u32 $0x7FFFFFFF, v23;
	v33 =	vand.u32 $0x7FFFFFFF, v25;
	v28 =	vsub.f32 v9, v13  }
0x39: {  	v27 =	vld [tilespmem:s26+$0x200];
	v31 =	vand.u32 $0x7FFFFFFF, v29;
	v9 =	vimm.f32 $0.0e+00;
	v2 =	vmin.f32 v2, v12  }
0x3a: {  	v5 =	vmin.f32 v16, v15;
	v12 =	vand.u32 $0x7FFFFFFF, v11;
	v32 =	vmin.f32 v10, v6  }
0x3b: {  	v6 =	vand.u32 $0x7FFFFFFF, v13;
	v16 =	vimm.f32 $0.0e+00;
	v15 =	vimm.f32 $0.0e+00  }
0x3c: {  	v10 =	vimm.f32 $0.0e+00;
	v13 =	vimm.f32 $0.0e+00;
	vm0 =	vgt.f32 v2, $0.0e+00  }
0x3d: {  	vm1 =	vgt.f32 v5, $0.0e+00;
	v5 =	vand.u32 $0x7FFFFFFF, v20;
	v4 =	vmin.f32 v4, v6  }
0x3e: {  	v6 =	vand.u32 $0x7FFFFFFF, v27;
	v2 =	vsel vm1, $0x3F800000, v0;
	v22 =	vsel vm0, $0x3F800000, v0  }
0x3f: {  	vm1 =	vgt.f32 v4, $0.0e+00;
	v4 =	vmin.f32 v6, v7;
	v3 =	vmul.f32 v2, v3  }
0x40: {  	v34 =	vmin.f32 v5, v12;
	v5 =	vimm.f32 $0.0e+00;
	v6 =	vimm.f32 $0.0e+00  }
0x41: {  	v12 =	vimm.f32 $0.0e+00;
	v7 =	vimm.f32 $0.0e+00;
	v3 =	vmul.f32 v3, v3  }
0x42: {  	v2 =	vadd.f32 v2, v1;
	v26 =	vmul.f32 v22, v14;
	vm0 =	vgt.f32 v4, $0.0e+00  }
0x43: {  	s25 =	simm.s32 $0x1;
	v4 =	vimm.f32 $0.0e+00;
	v14 =	vimm.f32 $0.0e+00;
	v3 =	vadd.f32 v3, v1  }
.LBB2_3:
0x44: {  	s26 =	sand.u32 $0x7, s25;
	s24 =	sadd.s32 $0x10, s24;
	vm2 =	vgt.f32 v32, $0.0e+00;
	v23 =	vsub.f32 v27, v23;
	v27 =	vmin.f32 v30, v33;
	s23 =	sadd.s32 $0x80, s23  }
0x45: {  	v21 =	vsub.f32 v21, v25;
	s26 =	sshll.u32 s26, $0x4;
	s28 =	sand.u32 $0x70, s24;
	s29 =	sand.u32 $0x3C00, s23;
	vm3 =	vgt.f32 v27, $0.0e+00  }
0x46: {  	vm4 =	vgt.f32 v34, $0.0e+00;
	v25 =	vsel vm1, $0x3F800000, v0;
	p1 =	slt.u32 s24, $0x7F0;
	s30 =	sadd.s32 s26, s23;
	s26 =	sor.u32 s28, s29;
	v32 =	vsel vm3, $0x3F800000, v0  }
0x47: {  	v4 =	vadd.f32 v22, v4;
	v1 =	vadd.f32 v25, v1;
	v27 =	vld [tilespmem:s26+$0x8300];
	s28 =	sor.u32 $0x380, s30;
	v21 =	vmul.f32 v32, v21  }
0x48: {  	v29 =	vsub.f32 v29, v8;
	v26 =	vmul.f32 v26, v26;
	v30 =	vsel vm2, $0x3F800000, v0;
	v22 =	vld [tilespmem:s28+$0x8000]  }
0x49: {  	v20 =	vsub.f32 v20, v11;
	v11 =	vsel vm0, $0x3F800000, v0;
	v24 =	vmul.f32 v30, v24;
	v33 =	vld [tilespmem:s26+$0x80]  }
0x4a: {  	v17 =	vmin.f32 v31, v17;
	v25 =	vmul.f32 v25, v28;
	v5 =	vadd.f32 v11, v5;
	v34 =	vld [tilespmem:s28+$0x0]  }
0x4b: {  	vm0 =	vgt.f32 v17, $0.0e+00;
	v14 =	vadd.f32 v30, v14;
	v17 =	vmul.f32 v24, v24;
	v8 =	vld [tilespmem:s26+$0x8000]  }
0x4c: {  	v28 =	vsel vm0, $0x3F800000, v0;
	v30 =	vsel vm4, $0x3F800000, v0;
	v31 =	vmul.f32 v21, v21;
	v24 =	vld [tilespmem:s26+$0x300]  }
0x4d: {  	v29 =	vmul.f32 v28, v29;
	v16 =	vadd.f32 v17, v16;
	v17 =	vmul.f32 v11, v23;
	v35 =	vld [tilespmem:s26+$0x8080]  }
0x4e: {  	v37 =	vmul.f32 v25, v25;
	v6 =	vadd.f32 v31, v6;
	v36 =	vand.u32 $0x7FFFFFFF, v33;
	v21 =	vld [tilespmem:s26+$0x280]  }
0x4f: {  	v15 =	vadd.f32 v28, v15;
	v25 =	vmul.f32 v29, v29;
	v23 =	vmul.f32 v17, v17;
	v11 =	vld [tilespmem:s26+$0x8100]  }
0x50: {  	v12 =	vadd.f32 v30, v12;
	v29 =	vand.u32 $0x7FFFFFFF, v27;
	v17 =	vand.u32 $0x7FFFFFFF, v8;
	v28 =	vld [tilespmem:s26+$0x180]  }
0x51: {  	v39 =	vmul.f32 v30, v20;
	v31 =	vld [tilespmem:s26+$0x8180];
	v38 =	vsub.f32 v24, v27;
	v24 =	vand.u32 $0x7FFFFFFF, v24  }
0x52: {  	v30 =	vand.u32 $0x7FFFFFFF, v22;
	v10 =	vadd.f32 v23, v10;
	v40 =	vand.u32 $0x7FFFFFFF, v35;
	v20 =	vld [tilespmem:s26+$0x100]  }
0x53: {  	v7 =	vadd.f32 v26, v7;
	v24 =	vmin.f32 v24, v29;
	v29 =	vand.u32 $0x7FFFFFFF, v34;
	v23 =	vld [tilespmem:s26+$0x8200]  }
0x54: {  	v19 =	vadd.f32 v25, v19;
	v22 =	vsub.f32 v34, v22;
	v26 =	vmin.f32 v29, v30;
	v27 =	vld [tilespmem:s26+$0x200]  }
0x55: {  	v13 =	vadd.f32 v37, v13;
	vm0 =	vgt.f32 v24, $0.0e+00;
	vm1 =	vgt.f32 v26, $0.0e+00;
	v25 =	vld [tilespmem:s26+$0x8280]  }
0x56: {  	v9 =	vadd.f32 v32, v9;
	v30 =	vand.u32 $0x7FFFFFFF, v21;
	v26 =	vsel vm1, $0x3F800000, v0  }
0x57: {  	v37 =	vand.u32 $0x7FFFFFFF, v11;
	v22 =	vmul.f32 v26, v22;
	v34 =	vand.u32 $0x7FFFFFFF, v20  }
0x58: {  	v24 =	vsub.f32 v33, v35;
	v35 =	vmul.f32 v39, v39;
	v33 =	vand.u32 $0x7FFFFFFF, v28  }
0x59: {  	v32 =	vmin.f32 v36, v40;
	v36 =	vand.u32 $0x7FFFFFFF, v31;
	v39 =	vand.u32 $0x7FFFFFFF, v23;
	v29 =	vld [tilespmem:s26+$0x0]  }
.Ltmp2:
0x5a: {  	v18 =	vadd.f32 v35, v18;
	v2 =	vadd.f32 v26, v2;
	v40 =	vmul.f32 v22, v22;
	(pc) =	sbr.rel @p1 .LBB2_3-.Ltmp2, $4  }
0x5b: {  	v26 =	vmin.f32 v33, v36;
	v22 =	vsel vm0, $0x3F800000, v0;
	v33 =	vand.u32 $0x7FFFFFFF, v25  }
0x5c: {  	v28 =	vsub.f32 v28, v31;
	vm1 =	vgt.f32 v26, $0.0e+00;
	v26 =	vand.u32 $0x7FFFFFFF, v27  }
0x5d: {  	v35 =	vmin.f32 v26, v39;
	v26 =	vmul.f32 v22, v38;
	v3 =	vadd.f32 v40, v3  }
0x5e: {  	s25 =	sadd.s32 $0x1, s25;
	v34 =	vmin.f32 v34, v37;
	vm0 =	vgt.f32 v35, $0.0e+00;
	v31 =	vand.u32 $0x7FFFFFFF, v29  }
0x5f: {  	vm2 =	vgt.f32 v32, $0.0e+00  }
0x60: {  	v23 =	vsub.f32 v27, v23;
	v27 =	vmin.f32 v30, v33;
	v17 =	vmin.f32 v31, v17  }
0x61: {  	v8 =	vsub.f32 v29, v8;
	v29 =	vsel vm2, $0x3F800000, v0;
	vm2 =	vgt.f32 v17, $0.0e+00  }
0x62: {  	v17 =	vsub.f32 v21, v25;
	v21 =	vmul.f32 v29, v24;
	v24 =	vsel vm2, $0x3F800000, v0  }
0x63: {  	v11 =	vsub.f32 v20, v11;
	vm2 =	vgt.f32 v34, $0.0e+00;
	v8 =	vmul.f32 v24, v8  }
0x64: {  	v30 =	vsel vm0, $0x3F800000, v0;
	v20 =	vmul.f32 v21, v21;
	v21 =	vsel vm2, $0x3F800000, v0  }
0x65: {  	v25 =	vsel vm1, $0x3F800000, v0;
	v8 =	vmul.f32 v8, v8;
	v11 =	vmul.f32 v21, v11  }
0x66: {  	vm3 =	vgt.f32 v27, $0.0e+00;
	v28 =	vmul.f32 v25, v28;
	v14 =	vadd.f32 v29, v14  }
0x67: {  	v16 =	vadd.f32 v20, v16;
	v8 =	vadd.f32 v8, v19;
	v11 =	vmul.f32 v11, v11  }
0x68: {  	v15 =	vadd.f32 v24, v15;
	v12 =	vadd.f32 v21, v12;
	v20 =	vmul.f32 v28, v28  }
0x69: {  	v19 =	vmul.f32 v30, v23;
	v11 =	vadd.f32 v11, v18;
	v8 =	vadd.f32 v16, v8  }
0x6a: {  	v27 =	vsel vm3, $0x3F800000, v0;
	v14 =	vadd.f32 v14, v15;
	v13 =	vadd.f32 v20, v13  }
0x6b: {  	v16 =	vmul.f32 v27, v17;
	v15 =	vmul.f32 v19, v19;
	v8 =	vadd.f32 v11, v8  }
0x6c: {  	v1 =	vadd.f32 v25, v1;
	v11 =	vadd.f32 v12, v14  }
0x6d: {  	v12 =	vmul.f32 v16, v16;
	v10 =	vadd.f32 v15, v10;
	v8 =	vadd.f32 v13, v8  }
0x6e: {  	v5 =	vadd.f32 v30, v5;
	v1 =	vadd.f32 v1, v11  }
0x6f: {  	v11 =	vmul.f32 v26, v26;
	v6 =	vadd.f32 v12, v6;
	v8 =	vadd.f32 v10, v8  }
0x70: {  	v9 =	vadd.f32 v27, v9;
	v1 =	vadd.f32 v5, v1  }
0x71: {  	v5 =	vadd.f32 v11, v7;
	v6 =	vadd.f32 v6, v8  }
0x72: {  	v4 =	vadd.f32 v22, v4;
	v7 =	vld [tilespmem:$0x10000];
	v1 =	vadd.f32 v9, v1  }
0x73: {  	v5 =	vadd.f32 v5, v6;
	v6 =	vld [tilespmem:$0x10080]  }
0x74: {  	v1 =	vadd.f32 v4, v1  }
0x75: {  	v3 =	vadd.f32 v3, v5  }
0x76: {  	v1 =	vadd.f32 v2, v1  }
0x77: {  	v2 =	vadd.f32 v7, v3  }
0x78: {  	v1 =	vadd.f32 v6, v1  }
0x79: {  	[tilespmem:$0x10000] =	vst v2  }
0x7a: {  	s23 =	simm.s32 @p0 $0x0;
	[tilespmem:$0x10080] =	vst v1  }
0x7b: {  	[tilespmem:s23], [sflag:$0x1] =	stream.linear.gather @p0 [hbm4b:s7+s23], $0x4000, $0x38;
	[tilespmem:$0x10100] =	vst v63  }
0x7c: {  	s24 =	simm.s32 @p0 $0x8000  }
0x7d: {  	[tilespmem:s24], [sflag:$0x1] =	stream.linear.gather @p0 [hbm4b:s8+s23], $0x4000, $0x38;
	[tilespmem:$0x10100] =	vst v63  }
0x7e: {  	_ =	swait.ge [sflag:s18], $0x4000  }
0x7f: {  	[sflag:s18] =	ssyncset.done $0x0  }
0x80: {  	s23 =	simm.s32 $0x0;
	s24 =	simm.s32 $0x0;
	[sflag:s18] =	ssyncadd.s32 $0xFFFFC000  }
0x81: {  	s25 =	sand.u32 $0x7, s23;
	s26 =	sand.u32 $0x70, s24;
	_ =	swait.ge [sflag:s18], $0x4000  }
0x82: {  	s28 =	sand.u32 $0x3C00, s23;
	s25 =	sshll.u32 s25, $0x4;
	[sflag:s18] =	ssyncset.done $0x0  }
0x83: {  	s26 =	sor.u32 s26, s28;
	s25 =	sadd.s32 $0x0, s25;
	[sflag:s18] =	ssyncadd.s32 $0xFFFFC000  }
0x84: {  	s25 =	sor.u32 $0x380, s25;
	v2 =	vld [tilespmem:s26+$0xC300]  }
0x85: {  	v3 =	vld [tilespmem:s25+$0xC000]  }
0x86: {  	v4 =	vld [tilespmem:s26+$0x4080]  }
0x87: {  	v5 =	vld [tilespmem:s25+$0x4000]  }
0x88: {  	v8 =	vld [tilespmem:s26+$0xC000]  }
0x89: {  	v6 =	vld [tilespmem:s26+$0x4300]  }
0x8a: {  	v7 =	vld [tilespmem:s26+$0xC080]  }
0x8b: {  	v21 =	vld [tilespmem:s26+$0x4280]  }
0x8c: {  	v9 =	vld [tilespmem:s26+$0x4180]  }
0x8d: {  	v13 =	vld [tilespmem:s26+$0xC180]  }
0x8e: {  	v23 =	vld [tilespmem:s26+$0xC200]  }
0x8f: {  	v19 =	vimm.f32 $0.0e+00;
	v18 =	vimm.f32 $0.0e+00;
	v1 =	vimm.f32 $0.0e+00;
	v25 =	vld [tilespmem:s26+$0xC280]  }
0x90: {  	v29 =	vld [tilespmem:s26+$0x4000];
	v10 =	vand.u32 $0x7FFFFFFF, v4;
	v17 =	vand.u32 $0x7FFFFFFF, v8;
	v12 =	vand.u32 $0x7FFFFFFF, v2  }
0x91: {  	v11 =	vld [tilespmem:s26+$0xC100];
	v14 =	vsub.f32 v6, v2;
	v2 =	vand.u32 $0x7FFFFFFF, v6;
	v6 =	vand.u32 $0x7FFFFFFF, v7  }
0x92: {  	v15 =	vand.u32 $0x7FFFFFFF, v3;
	v16 =	vand.u32 $0x7FFFFFFF, v5;
	v3 =	vsub.f32 v5, v3  }
0x93: {  	v30 =	vand.u32 $0x7FFFFFFF, v21;
	v24 =	vsub.f32 v4, v7;
	v4 =	vand.u32 $0x7FFFFFFF, v9  }
0x94: {  	v20 =	vld [tilespmem:s26+$0x4100];
	v7 =	vand.u32 $0x7FFFFFFF, v23;
	v33 =	vand.u32 $0x7FFFFFFF, v25;
	v28 =	vsub.f32 v9, v13  }
0x95: {  	v27 =	vld [tilespmem:s26+$0x4200];
	v31 =	vand.u32 $0x7FFFFFFF, v29;
	v9 =	vimm.f32 $0.0e+00;
	v2 =	vmin.f32 v2, v12  }
0x96: {  	v5 =	vmin.f32 v16, v15;
	v12 =	vand.u32 $0x7FFFFFFF, v11;
	v32 =	vmin.f32 v10, v6  }
0x97: {  	v6 =	vand.u32 $0x7FFFFFFF, v13;
	v16 =	vimm.f32 $0.0e+00;
	v15 =	vimm.f32 $0.0e+00  }
0x98: {  	v10 =	vimm.f32 $0.0e+00;
	v13 =	vimm.f32 $0.0e+00;
	vm0 =	vgt.f32 v2, $0.0e+00  }
0x99: {  	vm1 =	vgt.f32 v5, $0.0e+00;
	v5 =	vand.u32 $0x7FFFFFFF, v20;
	v4 =	vmin.f32 v4, v6  }
0x9a: {  	v6 =	vand.u32 $0x7FFFFFFF, v27;
	v2 =	vsel vm1, $0x3F800000, v0;
	v22 =	vsel vm0, $0x3F800000, v0  }
0x9b: {  	vm1 =	vgt.f32 v4, $0.0e+00;
	v4 =	vmin.f32 v6, v7;
	v3 =	vmul.f32 v2, v3  }
0x9c: {  	v34 =	vmin.f32 v5, v12;
	v5 =	vimm.f32 $0.0e+00;
	v6 =	vimm.f32 $0.0e+00  }
0x9d: {  	v12 =	vimm.f32 $0.0e+00;
	v7 =	vimm.f32 $0.0e+00;
	v3 =	vmul.f32 v3, v3  }
0x9e: {  	v2 =	vadd.f32 v2, v1;
	v26 =	vmul.f32 v22, v14;
	vm0 =	vgt.f32 v4, $0.0e+00  }
0x9f: {  	s25 =	simm.s32 $0x1;
	v4 =	vimm.f32 $0.0e+00;
	v14 =	vimm.f32 $0.0e+00;
	v3 =	vadd.f32 v3, v1  }
.LBB2_5:
0xa0: {  	s26 =	sand.u32 $0x7, s25;
	s24 =	sadd.s32 $0x10, s24;
	vm2 =	vgt.f32 v32, $0.0e+00;
	v23 =	vsub.f32 v27, v23;
	v27 =	vmin.f32 v30, v33;
	s23 =	sadd.s32 $0x80, s23  }
0xa1: {  	v21 =	vsub.f32 v21, v25;
	s26 =	sshll.u32 s26, $0x4;
	s28 =	sand.u32 $0x70, s24;
	s29 =	sand.u32 $0x3C00, s23;
	vm3 =	vgt.f32 v27, $0.0e+00  }
0xa2: {  	vm4 =	vgt.f32 v34, $0.0e+00;
	v25 =	vsel vm1, $0x3F800000, v0;
	p1 =	slt.u32 s24, $0x7F0;
	s30 =	sadd.s32 s26, s23;
	s26 =	sor.u32 s28, s29;
	v32 =	vsel vm3, $0x3F800000, v0  }
0xa3: {  	v4 =	vadd.f32 v22, v4;
	v1 =	vadd.f32 v25, v1;
	v27 =	vld [tilespmem:s26+$0xC300];
	s28 =	sor.u32 $0x380, s30;
	v21 =	vmul.f32 v32, v21  }
0xa4: {  	v29 =	vsub.f32 v29, v8;
	v26 =	vmul.f32 v26, v26;
	v30 =	vsel vm2, $0x3F800000, v0;
	v22 =	vld [tilespmem:s28+$0xC000]  }
0xa5: {  	v20 =	vsub.f32 v20, v11;
	v11 =	vsel vm0, $0x3F800000, v0;
	v24 =	vmul.f32 v30, v24;
	v33 =	vld [tilespmem:s26+$0x4080]  }
0xa6: {  	v17 =	vmin.f32 v31, v17;
	v25 =	vmul.f32 v25, v28;
	v5 =	vadd.f32 v11, v5;
	v34 =	vld [tilespmem:s28+$0x4000]  }
0xa7: {  	vm0 =	vgt.f32 v17, $0.0e+00;
	v14 =	vadd.f32 v30, v14;
	v17 =	vmul.f32 v24, v24;
	v8 =	vld [tilespmem:s26+$0xC000]  }
0xa8: {  	v28 =	vsel vm0, $0x3F800000, v0;
	v30 =	vsel vm4, $0x3F800000, v0;
	v31 =	vmul.f32 v21, v21;
	v24 =	vld [tilespmem:s26+$0x4300]  }
0xa9: {  	v29 =	vmul.f32 v28, v29;
	v16 =	vadd.f32 v17, v16;
	v17 =	vmul.f32 v11, v23;
	v35 =	vld [tilespmem:s26+$0xC080]  }
0xaa: {  	v37 =	vmul.f32 v25, v25;
	v6 =	vadd.f32 v31, v6;
	v36 =	vand.u32 $0x7FFFFFFF, v33;
	v21 =	vld [tilespmem:s26+$0x4280]  }
0xab: {  	v15 =	vadd.f32 v28, v15;
	v25 =	vmul.f32 v29, v29;
	v23 =	vmul.f32 v17, v17;
	v11 =	vld [tilespmem:s26+$0xC100]  }
0xac: {  	v12 =	vadd.f32 v30, v12;
	v29 =	vand.u32 $0x7FFFFFFF, v27;
	v17 =	vand.u32 $0x7FFFFFFF, v8;
	v28 =	vld [tilespmem:s26+$0x4180]  }
0xad: {  	v39 =	vmul.f32 v30, v20;
	v31 =	vld [tilespmem:s26+$0xC180];
	v38 =	vsub.f32 v24, v27;
	v24 =	vand.u32 $0x7FFFFFFF, v24  }
0xae: {  	v30 =	vand.u32 $0x7FFFFFFF, v22;
	v10 =	vadd.f32 v23, v10;
	v40 =	vand.u32 $0x7FFFFFFF, v35;
	v20 =	vld [tilespmem:s26+$0x4100]  }
0xaf: {  	v7 =	vadd.f32 v26, v7;
	v24 =	vmin.f32 v24, v29;
	v29 =	vand.u32 $0x7FFFFFFF, v34;
	v23 =	vld [tilespmem:s26+$0xC200]  }
0xb0: {  	v19 =	vadd.f32 v25, v19;
	v22 =	vsub.f32 v34, v22;
	v26 =	vmin.f32 v29, v30;
	v27 =	vld [tilespmem:s26+$0x4200]  }
0xb1: {  	v13 =	vadd.f32 v37, v13;
	vm0 =	vgt.f32 v24, $0.0e+00;
	vm1 =	vgt.f32 v26, $0.0e+00;
	v25 =	vld [tilespmem:s26+$0xC280]  }
0xb2: {  	v9 =	vadd.f32 v32, v9;
	v30 =	vand.u32 $0x7FFFFFFF, v21;
	v26 =	vsel vm1, $0x3F800000, v0  }
0xb3: {  	v37 =	vand.u32 $0x7FFFFFFF, v11;
	v22 =	vmul.f32 v26, v22;
	v34 =	vand.u32 $0x7FFFFFFF, v20  }
0xb4: {  	v24 =	vsub.f32 v33, v35;
	v35 =	vmul.f32 v39, v39;
	v33 =	vand.u32 $0x7FFFFFFF, v28  }
0xb5: {  	v32 =	vmin.f32 v36, v40;
	v36 =	vand.u32 $0x7FFFFFFF, v31;
	v39 =	vand.u32 $0x7FFFFFFF, v23;
	v29 =	vld [tilespmem:s26+$0x4000]  }
.Ltmp3:
0xb6: {  	v18 =	vadd.f32 v35, v18;
	v2 =	vadd.f32 v26, v2;
	v40 =	vmul.f32 v22, v22;
	(pc) =	sbr.rel @p1 .LBB2_5-.Ltmp3, $4  }
0xb7: {  	v26 =	vmin.f32 v33, v36;
	v22 =	vsel vm0, $0x3F800000, v0;
	v33 =	vand.u32 $0x7FFFFFFF, v25  }
0xb8: {  	v28 =	vsub.f32 v28, v31;
	vm1 =	vgt.f32 v26, $0.0e+00;
	v26 =	vand.u32 $0x7FFFFFFF, v27  }
0xb9: {  	v35 =	vmin.f32 v26, v39;
	v26 =	vmul.f32 v22, v38;
	v3 =	vadd.f32 v40, v3  }
0xba: {  	s25 =	sadd.s32 $0x1, s25;
	v34 =	vmin.f32 v34, v37;
	vm0 =	vgt.f32 v35, $0.0e+00;
	v31 =	vand.u32 $0x7FFFFFFF, v29  }
0xbb: {  	vm2 =	vgt.f32 v32, $0.0e+00;
	v23 =	vsub.f32 v27, v23;
	v45 =	vmin.f32 v30, v33  }
0xbc: {  	v17 =	vmin.f32 v31, v17;
	v8 =	vsub.f32 v29, v8;
	v47 =	vsub.f32 v21, v25  }
0xbd: {  	vm15 =	vgt.f32 v34, $0.0e+00;
	v11 =	vsub.f32 v20, v11;
	vm14 =	vgt.f32 v17, $0.0e+00  }
0xbe: {  	v52 =	vsel vm1, $0x3F800000, v0;
	v46 =	vsel vm2, $0x3F800000, v0;
	v49 =	vsel vm14, $0x3F800000, v0  }
0xbf: {  	v51 =	vsel vm15, $0x3F800000, v0;
	v48 =	vmul.f32 v46, v24;
	v8 =	vmul.f32 v49, v8  }
0xc0: {  	v53 =	vsel vm0, $0x3F800000, v0;
	v28 =	vmul.f32 v52, v28;
	v11 =	vmul.f32 v51, v11  }
0xc1: {  	vm3 =	vgt.f32 v45, $0.0e+00;
	v50 =	vmul.f32 v48, v48;
	v8 =	vmul.f32 v8, v8  }
0xc2: {  	v27 =	vsel vm3, $0x3F800000, v0;
	v14 =	vadd.f32 v46, v14;
	v15 =	vadd.f32 v49, v15  }
0xc3: {  	v11 =	vmul.f32 v11, v11;
	v16 =	vadd.f32 v50, v16;
	v8 =	vadd.f32 v8, v19  }
0xc4: {  	v54 =	vmul.f32 v53, v23;
	v12 =	vadd.f32 v51, v12;
	v14 =	vadd.f32 v14, v15  }
0xc5: {  	v55 =	vmul.f32 v28, v28;
	v11 =	vadd.f32 v11, v18;
	v8 =	vadd.f32 v16, v8  }
0xc6: {  	v1 =	vadd.f32 v52, v1;
	v56 =	vmul.f32 v27, v47;
	v58 =	vadd.f32 v12, v14  }
0xc7: {  	v57 =	vmul.f32 v54, v54;
	v13 =	vadd.f32 v55, v13;
	v8 =	vadd.f32 v11, v8  }
0xc8: {  	v5 =	vadd.f32 v53, v5;
	v1 =	vadd.f32 v1, v58  }
0xc9: {  	v59 =	vmul.f32 v56, v56;
	v10 =	vadd.f32 v57, v10;
	v8 =	vadd.f32 v13, v8  }
0xca: {  	v9 =	vadd.f32 v27, v9;
	v1 =	vadd.f32 v5, v1  }
0xcb: {  	v60 =	vmul.f32 v26, v26;
	v6 =	vadd.f32 v59, v6;
	v8 =	vadd.f32 v10, v8  }
0xcc: {  	v4 =	vadd.f32 v22, v4;
	v1 =	vadd.f32 v9, v1  }
0xcd: {  	v63 =	vld [tilespmem:$0x10080];
	v61 =	vadd.f32 v60, v7;
	v6 =	vadd.f32 v6, v8  }
0xce: {  	v62 =	vld [tilespmem:$0x10000];
	v1 =	vadd.f32 v4, v1  }
0xcf: {  	v5 =	vadd.f32 v61, v6  }
0xd0: {  	v1 =	vadd.f32 v2, v1  }
.Ltmp4:
0xd1: {  	v3 =	vadd.f32 v3, v5;
	(pc) =	sbr.rel @!p0 .LBB2_8-.Ltmp4, $4  }
0xd2: {  	v1 =	vadd.f32 v63, v1  }
0xd3: {  	v2 =	vadd.f32 v62, v3  }
0xd4: {  	[tilespmem:$0x10080] =	vst v1  }
0xd5: {  	[tilespmem:$0x10000] =	vst v2  }
.Ltmp5:
0xd6: {  	(pc) =	sbr.rel .LBB2_2-.Ltmp5, $3  }
0xd7: {  	_ =	sdelay $0x1  }
0xd8: {  	[tilespmem:s15], [sflag:$0x2] =	stream.linear.gather [hbm4b:s9+s2], $0x4000, $0x38;
	[tilespmem:$0x10100] =	vst v63  }
0xd9: {  	p0 =	por $0x0, $0x0;
	s24 =	smov.u32 s11  }
.LBB2_9:
0xda: {  	_ =	sfence.sel $0x180000  }
0xdb: {  	[bflag:$0x0] =	sbarrier.arrive $0xFFFF  }
0xdc: {  	p0 =	sne.s32 s0, $0x0;
	_ =	strace $0x90000047  }
0xdd: {  	s0 =	sadd.s32 @!p0 $0x100000, s1;
	[bflag:$0x2] =	sbarrier.arrive $0xFFFF  }
0xde: {  	[sflag:s0] =	ssyncadd.tile.s32 @!p0 $0x1;
	_ =	shalt  }
.Lfunc_end2:
_tile_overlayer_lowered:
.L_overlay_start_2:
0xdf: {  	(tag) =	ssettag $0x2  }
0xe0: {  	s0 =	rddreg [dreg:$0x0];
	s2 =	stileid.u32  }
0xe1: {  	s1 =	rddreg [dreg:$0x1];
	p0 =	sne.s32 s2, $0x0  }
0xe2: {  	s3 =	rddreg [dreg:$0x2];
	[bflag:$0x3] =	sbarrier.arrive $0xFFFF;
	s2 =	simm.s32 @!p0 $0x1C03  }
0xe3: {  	[timem:s3], [sflag:s2] =	dma.local @!p0 [hbm:s0], s1  }
0xe4: {  	s0 =	simm.s32 @!p0 $0x3  }
0xe5: {  	_ =	swait.ge @!p0 [sflag:s0], s1  }
0xe6: {  	s1 =	ssub.s32 @!p0 $0x0, s1;
	[sflag:s0] =	ssyncset.done @!p0 $0x0  }
0xe7: {  	[sflag:s0] =	ssyncadd.s32 @!p0 s1  }
0xe8: {  	[bflag:$0x3] =	sbarrier.arrive $0xFFFF  }
0xe9: {  	_ =	shalt  }

</sc_bundles>
